<compile_context>
chip_gen: v7x
topology: tpu7x:2x2x1
jax: 0.10.2.dev20260603
libtpu: 0.0.44.dev20260713+nightly
codegen_flags: <defaults>
</compile_context>

<pallas_src>
import functools
import jax
import jax.numpy as jnp
from jax import lax
from jax.experimental import pallas as pl
from jax.experimental.pallas import tpu as pltpu
from jax.experimental.pallas import tpu_sc as plsc

_CH = 32
_NSLOTS = 2


def _make_sc(batch, seq_len, d_model, dtype):
    info = plsc.get_sparse_core_info()
    nc, ns = info.num_cores, info.num_subcores
    nw = nc * ns
    rows_per_w = seq_len // nw
    nchunks = rows_per_w // _CH
    mesh = plsc.VectorSubcoreMesh(core_axis_name="c", subcore_axis_name="s")

    @functools.partial(
        pl.kernel,
        mesh=mesh,
        out_type=jax.ShapeDtypeStruct((batch * seq_len, d_model), dtype),
        scratch_types=[
            pltpu.VMEM((_NSLOTS, _CH, d_model), dtype),
            pltpu.SemaphoreType.DMA((_NSLOTS,)),
            pltpu.SemaphoreType.DMA((_NSLOTS,)),
        ],
    )
    def k(w_hbm, out_hbm, buf, insem, outsem):
        wid = lax.axis_index("s") * nc + lax.axis_index("c")
        base = wid * rows_per_w

        def in_copy(j, slot):
            r = base + j * _CH
            return pltpu.make_async_copy(
                w_hbm.at[pl.ds(r, _CH), :], buf.at[slot], insem.at[slot]
            )

        def out_copy(j, slot, b):
            r = base + j * _CH
            return pltpu.make_async_copy(
                buf.at[slot],
                out_hbm.at[pl.ds(b * seq_len + r, _CH), :],
                outsem.at[slot],
            )

        for j in range(min(_NSLOTS, nchunks)):
            in_copy(j, j).start()
        for j in range(nchunks):
            slot = j % _NSLOTS
            in_copy(j, slot).wait()
            for b in range(batch):
                out_copy(j, slot, b).start()
            nxt = j + _NSLOTS
            if nxt < nchunks:
                for b in range(batch):
                    out_copy(j, slot, b).wait()
                in_copy(nxt, slot).start()
        for j in range(max(0, nchunks - _NSLOTS), nchunks):
            for b in range(batch):
                out_copy(j, j % _NSLOTS, b).wait()

    return k


def kernel(tokens, W_pos):
    batch, seq_len = tokens.shape
    d_model = W_pos.shape[1]
    flat = _make_sc(batch, seq_len, d_model, W_pos.dtype)(W_pos)
    return flat.reshape(batch, seq_len, d_model)

# --- scband reference (transcript-rebuilt; emitter-appended) ---
"""Pipeline reference for scband-pos-embed-20031727469023 (READ-ONLY COPY).

The authoritative reference and input builder live on the scoring server;
editing this copy changes nothing except your own understanding.
"""

import jax, jax.numpy as jnp
import numpy as np

N_CTX = 8192
D_MODEL = 2048
INIT_RANGE = 0.02
BATCH = 4
SEQ_LEN = 4096
VOCAB = 50257

def setup_inputs(seed: int = 0) -> dict:
    key = jax.random.key(seed)
    k1, k2 = jax.random.split(key)
    tokens = jax.random.randint(k1, (BATCH, SEQ_LEN), 0, VOCAB, dtype=jnp.int64 if jax.config.jax_enable_x64 else jnp.int32)
    W_pos = jax.random.normal(k2, (N_CTX, D_MODEL), dtype=jnp.float32) * INIT_RANGE
    return {"tokens": tokens, "W_pos": W_pos}

def reference(tokens, W_pos):
    seq_len = tokens.shape[1]
    batch_size = tokens.shape[0]
    position_indices = jnp.arange(seq_len)
    pos_embed = jnp.take(W_pos, position_indices, axis=0)  # [seq_len, d_model]
    pos_embed = jnp.broadcast_to(pos_embed[None, :, :], (batch_size, seq_len, W_pos.shape[1]))
    return pos_embed

if __name__ == "__main__":
    import jax
    _d = setup_inputs()
    print(jax.jit(kernel)(*tuple(_d.values())))

</pallas_src>

<mosaic_0001>
#map = affine_map<(d0, d1) -> (0, 0)>
module attributes {stable_mosaic.version = 14 : i64} {
  func.func @k(%arg0: i32, %arg1: i32, %arg2: memref<8192x2048xf32, #tpu.memory_space<hbm>>, %arg3: memref<16384x2048xf32, #tpu.memory_space<hbm>>, %arg4: memref<2x32x2048xf32, #tpu.memory_space<vmem>>, %arg5: memref<2x!tpu.dma_semaphore, #tpu.memory_space<semaphore_mem>>, %arg6: memref<2x!tpu.dma_semaphore, #tpu.memory_space<semaphore_mem>>) attributes {dimension_semantics = [#tpu.dimension_semantics<core_parallel>, #tpu.dimension_semantics<subcore_parallel>], iteration_bounds = array<i64: 2, 16>, scalar_prefetch = 0 : i64, scratch_operands = 3 : i64, tpu.core_type = #tpu.core_type<sc_vector_subcore>, window_params = [{transform_indices = #map}, {transform_indices = #map}]} {
    %mul3A = arith.constant 2 : i32
    %mul3A_0 = arith.muli %arg1, %mul3A : i32
    %add3A = arith.addi %mul3A_0, %arg0 : i32
    %mul3A_1 = arith.constant 128 : i32
    %mul3A_2 = arith.muli %add3A, %mul3A_1 : i32
    %add3A_3 = arith.constant 0 : i32
    %add3A_4 = arith.addi %mul3A_2, %add3A_3 : i32
    %dma_start3A = arith.constant 0 : i32
    %dma_start3A_5 = arith.constant 0 : i32
    %dma_start3A_6 = arith.constant 0 : i32
    %dma_start3A_7 = arith.constant 0 : i32
    %dma_start3A_8 = tpu.memref_slice %arg4[%dma_start3A, %dma_start3A_6, %dma_start3A_7] : memref<2x32x2048xf32, #tpu.memory_space<vmem>> -> memref<1x32x2048xf32, #tpu.memory_space<vmem>>
    %dma_start3A_9 = tpu.memref_squeeze %dma_start3A_8 : memref<1x32x2048xf32, #tpu.memory_space<vmem>> -> memref<32x2048xf32, #tpu.memory_space<vmem>>
    %dma_start3A_10 = arith.constant 0 : i32
    %dma_start3A_11 = tpu.memref_slice %arg2[%add3A_4, %dma_start3A_10] : memref<8192x2048xf32, #tpu.memory_space<hbm>> -> memref<32x2048xf32, #tpu.memory_space<hbm>>
    %dma_start3A_12 = tpu.memref_slice %arg5[%dma_start3A_5] : memref<2x!tpu.dma_semaphore, #tpu.memory_space<semaphore_mem>> -> memref<1x!tpu.dma_semaphore, #tpu.memory_space<semaphore_mem>>
    %dma_start3A_13 = tpu.memref_squeeze %dma_start3A_12 : memref<1x!tpu.dma_semaphore, #tpu.memory_space<semaphore_mem>> -> memref<!tpu.dma_semaphore, #tpu.memory_space<semaphore_mem>>
    %dma_start3A_14 = arith.constant 0 : i32
    %dma_start3A_15 = arith.constant 0 : i32
    %dma_start3A_16 = tpu.memref_slice %arg4[%dma_start3A, %dma_start3A_14, %dma_start3A_15] : memref<2x32x2048xf32, #tpu.memory_space<vmem>> -> memref<1x32x2048xf32, #tpu.memory_space<vmem>>
    %dma_start3A_17 = tpu.memref_squeeze %dma_start3A_16 : memref<1x32x2048xf32, #tpu.memory_space<vmem>> -> memref<32x2048xf32, #tpu.memory_space<vmem>>
    %dma_start3A_18 = arith.constant 0 : i32
    %dma_start3A_19 = tpu.memref_slice %arg2[%add3A_4, %dma_start3A_18] : memref<8192x2048xf32, #tpu.memory_space<hbm>> -> memref<32x2048xf32, #tpu.memory_space<hbm>>
    tpu.enqueue_dma source(%dma_start3A_19 : memref<32x2048xf32, #tpu.memory_space<hbm>>) target(%dma_start3A_17 : memref<32x2048xf32, #tpu.memory_space<vmem>>) target_semaphore(%dma_start3A_13 : memref<!tpu.dma_semaphore, #tpu.memory_space<semaphore_mem>>)
    %add3A_20 = arith.constant 32 : i32
    %add3A_21 = arith.addi %mul3A_2, %add3A_20 : i32
    %dma_start3A_22 = arith.constant 1 : i32
    %dma_start3A_23 = arith.constant 1 : i32
    %dma_start3A_24 = arith.constant 0 : i32
    %dma_start3A_25 = arith.constant 0 : i32
    %dma_start3A_26 = tpu.memref_slice %arg4[%dma_start3A_22, %dma_start3A_24, %dma_start3A_25] : memref<2x32x2048xf32, #tpu.memory_space<vmem>> -> memref<1x32x2048xf32, #tpu.memory_space<vmem>>
    %dma_start3A_27 = tpu.memref_squeeze %dma_start3A_26 : memref<1x32x2048xf32, #tpu.memory_space<vmem>> -> memref<32x2048xf32, #tpu.memory_space<vmem>>
    %dma_start3A_28 = arith.constant 0 : i32
    %dma_start3A_29 = tpu.memref_slice %arg2[%add3A_21, %dma_start3A_28] : memref<8192x2048xf32, #tpu.memory_space<hbm>> -> memref<32x2048xf32, #tpu.memory_space<hbm>>
    %dma_start3A_30 = tpu.memref_slice %arg5[%dma_start3A_23] : memref<2x!tpu.dma_semaphore, #tpu.memory_space<semaphore_mem>> -> memref<1x!tpu.dma_semaphore, #tpu.memory_space<semaphore_mem>>
    %dma_start3A_31 = tpu.memref_squeeze %dma_start3A_30 : memref<1x!tpu.dma_semaphore, #tpu.memory_space<semaphore_mem>> -> memref<!tpu.dma_semaphore, #tpu.memory_space<semaphore_mem>>
    %dma_start3A_32 = arith.constant 0 : i32
    %dma_start3A_33 = arith.constant 0 : i32
    %dma_start3A_34 = tpu.memref_slice %arg4[%dma_start3A_22, %dma_start3A_32, %dma_start3A_33] : memref<2x32x2048xf32, #tpu.memory_space<vmem>> -> memref<1x32x2048xf32, #tpu.memory_space<vmem>>
    %dma_start3A_35 = tpu.memref_squeeze %dma_start3A_34 : memref<1x32x2048xf32, #tpu.memory_space<vmem>> -> memref<32x2048xf32, #tpu.memory_space<vmem>>
    %dma_start3A_36 = arith.constant 0 : i32
    %dma_start3A_37 = tpu.memref_slice %arg2[%add3A_21, %dma_start3A_36] : memref<8192x2048xf32, #tpu.memory_space<hbm>> -> memref<32x2048xf32, #tpu.memory_space<hbm>>
    tpu.enqueue_dma source(%dma_start3A_37 : memref<32x2048xf32, #tpu.memory_space<hbm>>) target(%dma_start3A_35 : memref<32x2048xf32, #tpu.memory_space<vmem>>) target_semaphore(%dma_start3A_31 : memref<!tpu.dma_semaphore, #tpu.memory_space<semaphore_mem>>)
    %add3A_38 = arith.constant 0 : i32
    %add3A_39 = arith.addi %mul3A_2, %add3A_38 : i32
    %dma_wait3A = arith.constant 0 : i32
    %dma_wait3A_40 = arith.constant 0 : i32
    %dma_wait3A_41 = arith.constant 0 : i32
    %dma_wait3A_42 = arith.constant 0 : i32
    %dma_wait3A_43 = tpu.memref_slice %arg4[%dma_wait3A, %dma_wait3A_41, %dma_wait3A_42] : memref<2x32x2048xf32, #tpu.memory_space<vmem>> -> memref<1x32x2048xf32, #tpu.memory_space<vmem>>
    %dma_wait3A_44 = tpu.memref_squeeze %dma_wait3A_43 : memref<1x32x2048xf32, #tpu.memory_space<vmem>> -> memref<32x2048xf32, #tpu.memory_space<vmem>>
    %dma_wait3A_45 = arith.constant 0 : i32
    %dma_wait3A_46 = tpu.memref_slice %arg2[%add3A_39, %dma_wait3A_45] : memref<8192x2048xf32, #tpu.memory_space<hbm>> -> memref<32x2048xf32, #tpu.memory_space<hbm>>
    %dma_wait3A_47 = tpu.memref_slice %arg5[%dma_wait3A_40] : memref<2x!tpu.dma_semaphore, #tpu.memory_space<semaphore_mem>> -> memref<1x!tpu.dma_semaphore, #tpu.memory_space<semaphore_mem>>
    %dma_wait3A_48 = tpu.memref_squeeze %dma_wait3A_47 : memref<1x!tpu.dma_semaphore, #tpu.memory_space<semaphore_mem>> -> memref<!tpu.dma_semaphore, #tpu.memory_space<semaphore_mem>>
    %dma_wait3A_49 = arith.constant 0 : i32
    %dma_wait3A_50 = arith.constant 0 : i32
    %dma_wait3A_51 = tpu.memref_slice %arg4[%dma_wait3A, %dma_wait3A_49, %dma_wait3A_50] : memref<2x32x2048xf32, #tpu.memory_space<vmem>> -> memref<1x32x2048xf32, #tpu.memory_space<vmem>>
    %dma_wait3A_52 = tpu.memref_squeeze %dma_wait3A_51 : memref<1x32x2048xf32, #tpu.memory_space<vmem>> -> memref<32x2048xf32, #tpu.memory_space<vmem>>
    %dma_wait3A_53 = arith.constant 0 : i32
    %dma_wait3A_54 = tpu.memref_slice %arg2[%add3A_39, %dma_wait3A_53] : memref<8192x2048xf32, #tpu.memory_space<hbm>> -> memref<32x2048xf32, #tpu.memory_space<hbm>>
    tpu.wait_dma2 semaphore(%dma_wait3A_48 : memref<!tpu.dma_semaphore, #tpu.memory_space<semaphore_mem>>) src(%dma_wait3A_54 : memref<32x2048xf32, #tpu.memory_space<hbm>>) dst(%dma_wait3A_52 : memref<32x2048xf32, #tpu.memory_space<vmem>>)
    %add3A_55 = arith.constant 0 : i32
    %add3A_56 = arith.addi %mul3A_2, %add3A_55 : i32
    %add3A_57 = arith.constant 0 : i32
    %add3A_58 = arith.addi %add3A_57, %add3A_56 : i32
    %dma_start3A_59 = arith.constant 0 : i32
    %dma_start3A_60 = arith.constant 0 : i32
    %dma_start3A_61 = arith.constant 0 : i32
    %dma_start3A_62 = arith.constant 0 : i32
    %dma_start3A_63 = tpu.memref_slice %arg4[%dma_start3A_59, %dma_start3A_61, %dma_start3A_62] : memref<2x32x2048xf32, #tpu.memory_space<vmem>> -> memref<1x32x2048xf32, #tpu.memory_space<vmem>>
    %dma_start3A_64 = tpu.memref_squeeze %dma_start3A_63 : memref<1x32x2048xf32, #tpu.memory_space<vmem>> -> memref<32x2048xf32, #tpu.memory_space<vmem>>
    %dma_start3A_65 = arith.constant 0 : i32
    %dma_start3A_66 = tpu.memref_slice %arg3[%add3A_58, %dma_start3A_65] : memref<16384x2048xf32, #tpu.memory_space<hbm>> -> memref<32x2048xf32, #tpu.memory_space<hbm>>
    %dma_start3A_67 = tpu.memref_slice %arg6[%dma_start3A_60] : memref<2x!tpu.dma_semaphore, #tpu.memory_space<semaphore_mem>> -> memref<1x!tpu.dma_semaphore, #tpu.memory_space<semaphore_mem>>
    %dma_start3A_68 = tpu.memref_squeeze %dma_start3A_67 : memref<1x!tpu.dma_semaphore, #tpu.memory_space<semaphore_mem>> -> memref<!tpu.dma_semaphore, #tpu.memory_space<semaphore_mem>>
    %dma_start3A_69 = arith.constant 0 : i32
    %dma_start3A_70 = tpu.memref_slice %arg3[%add3A_58, %dma_start3A_69] : memref<16384x2048xf32, #tpu.memory_space<hbm>> -> memref<32x2048xf32, #tpu.memory_space<hbm>>
    %dma_start3A_71 = arith.constant 0 : i32
    %dma_start3A_72 = arith.constant 0 : i32
    %dma_start3A_73 = tpu.memref_slice %arg4[%dma_start3A_59, %dma_start3A_71, %dma_start3A_72] : memref<2x32x2048xf32, #tpu.memory_space<vmem>> -> memref<1x32x2048xf32, #tpu.memory_space<vmem>>
    %dma_start3A_74 = tpu.memref_squeeze %dma_start3A_73 : memref<1x32x2048xf32, #tpu.memory_space<vmem>> -> memref<32x2048xf32, #tpu.memory_space<vmem>>
    tpu.enqueue_dma source(%dma_start3A_74 : memref<32x2048xf32, #tpu.memory_space<vmem>>) target(%dma_start3A_70 : memref<32x2048xf32, #tpu.memory_space<hbm>>) target_semaphore(%dma_start3A_68 : memref<!tpu.dma_semaphore, #tpu.memory_space<semaphore_mem>>)
    %add3A_75 = arith.constant 0 : i32
    %add3A_76 = arith.addi %mul3A_2, %add3A_75 : i32
    %add3A_77 = arith.constant 4096 : i32
    %add3A_78 = arith.addi %add3A_77, %add3A_76 : i32
    %dma_start3A_79 = arith.constant 0 : i32
    %dma_start3A_80 = arith.constant 0 : i32
    %dma_start3A_81 = arith.constant 0 : i32
    %dma_start3A_82 = arith.constant 0 : i32
    %dma_start3A_83 = tpu.memref_slice %arg4[%dma_start3A_79, %dma_start3A_81, %dma_start3A_82] : memref<2x32x2048xf32, #tpu.memory_space<vmem>> -> memref<1x32x2048xf32, #tpu.memory_space<vmem>>
    %dma_start3A_84 = tpu.memref_squeeze %dma_start3A_83 : memref<1x32x2048xf32, #tpu.memory_space<vmem>> -> memref<32x2048xf32, #tpu.memory_space<vmem>>
    %dma_start3A_85 = arith.constant 0 : i32
    %dma_start3A_86 = tpu.memref_slice %arg3[%add3A_78, %dma_start3A_85] : memref<16384x2048xf32, #tpu.memory_space<hbm>> -> memref<32x2048xf32, #tpu.memory_space<hbm>>
    %dma_start3A_87 = tpu.memref_slice %arg6[%dma_start3A_80] : memref<2x!tpu.dma_semaphore, #tpu.memory_space<semaphore_mem>> -> memref<1x!tpu.dma_semaphore, #tpu.memory_space<semaphore_mem>>
    %dma_start3A_88 = tpu.memref_squeeze %dma_start3A_87 : memref<1x!tpu.dma_semaphore, #tpu.memory_space<semaphore_mem>> -> memref<!tpu.dma_semaphore, #tpu.memory_space<semaphore_mem>>
    %dma_start3A_89 = arith.constant 0 : i32
    %dma_start3A_90 = tpu.memref_slice %arg3[%add3A_78, %dma_start3A_89] : memref<16384x2048xf32, #tpu.memory_space<hbm>> -> memref<32x2048xf32, #tpu.memory_space<hbm>>
    %dma_start3A_91 = arith.constant 0 : i32
    %dma_start3A_92 = arith.constant 0 : i32
    %dma_start3A_93 = tpu.memref_slice %arg4[%dma_start3A_79, %dma_start3A_91, %dma_start3A_92] : memref<2x32x2048xf32, #tpu.memory_space<vmem>> -> memref<1x32x2048xf32, #tpu.memory_space<vmem>>
    %dma_start3A_94 = tpu.memref_squeeze %dma_start3A_93 : memref<1x32x2048xf32, #tpu.memory_space<vmem>> -> memref<32x2048xf32, #tpu.memory_space<vmem>>
    tpu.enqueue_dma source(%dma_start3A_94 : memref<32x2048xf32, #tpu.memory_space<vmem>>) target(%dma_start3A_90 : memref<32x2048xf32, #tpu.memory_space<hbm>>) target_semaphore(%dma_start3A_88 : memref<!tpu.dma_semaphore, #tpu.memory_space<semaphore_mem>>)
    %add3A_95 = arith.constant 0 : i32
    %add3A_96 = arith.addi %mul3A_2, %add3A_95 : i32
    %add3A_97 = arith.constant 8192 : i32
    %add3A_98 = arith.addi %add3A_97, %add3A_96 : i32
    %dma_start3A_99 = arith.constant 0 : i32
    %dma_start3A_100 = arith.constant 0 : i32
    %dma_start3A_101 = arith.constant 0 : i32
    %dma_start3A_102 = arith.constant 0 : i32
    %dma_start3A_103 = tpu.memref_slice %arg4[%dma_start3A_99, %dma_start3A_101, %dma_start3A_102] : memref<2x32x2048xf32, #tpu.memory_space<vmem>> -> memref<1x32x2048xf32, #tpu.memory_space<vmem>>
    %dma_start3A_104 = tpu.memref_squeeze %dma_start3A_103 : memref<1x32x2048xf32, #tpu.memory_space<vmem>> -> memref<32x2048xf32, #tpu.memory_space<vmem>>
    %dma_start3A_105 = arith.constant 0 : i32
    %dma_start3A_106 = tpu.memref_slice %arg3[%add3A_98, %dma_start3A_105] : memref<16384x2048xf32, #tpu.memory_space<hbm>> -> memref<32x2048xf32, #tpu.memory_space<hbm>>
    %dma_start3A_107 = tpu.memref_slice %arg6[%dma_start3A_100] : memref<2x!tpu.dma_semaphore, #tpu.memory_space<semaphore_mem>> -> memref<1x!tpu.dma_semaphore, #tpu.memory_space<semaphore_mem>>
    %dma_start3A_108 = tpu.memref_squeeze %dma_start3A_107 : memref<1x!tpu.dma_semaphore, #tpu.memory_space<semaphore_mem>> -> memref<!tpu.dma_semaphore, #tpu.memory_space<semaphore_mem>>
    %dma_start3A_109 = arith.constant 0 : i32
    %dma_start3A_110 = tpu.memref_slice %arg3[%add3A_98, %dma_start3A_109] : memref<16384x2048xf32, #tpu.memory_space<hbm>> -> memref<32x2048xf32, #tpu.memory_space<hbm>>
    %dma_start3A_111 = arith.constant 0 : i32
    %dma_start3A_112 = arith.constant 0 : i32
    %dma_start3A_113 = tpu.memref_slice %arg4[%dma_start3A_99, %dma_start3A_111, %dma_start3A_112] : memref<2x32x2048xf32, #tpu.memory_space<vmem>> -> memref<1x32x2048xf32, #tpu.memory_space<vmem>>
    %dma_start3A_114 = tpu.memref_squeeze %dma_start3A_113 : memref<1x32x2048xf32, #tpu.memory_space<vmem>> -> memref<32x2048xf32, #tpu.memory_space<vmem>>
    tpu.enqueue_dma source(%dma_start3A_114 : memref<32x2048xf32, #tpu.memory_space<vmem>>) target(%dma_start3A_110 : memref<32x2048xf32, #tpu.memory_space<hbm>>) target_semaphore(%dma_start3A_108 : memref<!tpu.dma_semaphore, #tpu.memory_space<semaphore_mem>>)
    %add3A_115 = arith.constant 0 : i32
    %add3A_116 = arith.addi %mul3A_2, %add3A_115 : i32
    %add3A_117 = arith.constant 12288 : i32
    %add3A_118 = arith.addi %add3A_117, %add3A_116 : i32
    %dma_start3A_119 = arith.constant 0 : i32
    %dma_start3A_120 = arith.constant 0 : i32
    %dma_start3A_121 = arith.constant 0 : i32
    %dma_start3A_122 = arith.constant 0 : i32
    %dma_start3A_123 = tpu.memref_slice %arg4[%dma_start3A_119, %dma_start3A_121, %dma_start3A_122] : memref<2x32x2048xf32, #tpu.memory_space<vmem>> -> memref<1x32x2048xf32, #tpu.memory_space<vmem>>
    %dma_start3A_124 = tpu.memref_squeeze %dma_start3A_123 : memref<1x32x2048xf32, #tpu.memory_space<vmem>> -> memref<32x2048xf32, #tpu.memory_space<vmem>>
    %dma_start3A_125 = arith.constant 0 : i32
    %dma_start3A_126 = tpu.memref_slice %arg3[%add3A_118, %dma_start3A_125] : memref<16384x2048xf32, #tpu.memory_space<hbm>> -> memref<32x2048xf32, #tpu.memory_space<hbm>>
    %dma_start3A_127 = tpu.memref_slice %arg6[%dma_start3A_120] : memref<2x!tpu.dma_semaphore, #tpu.memory_space<semaphore_mem>> -> memref<1x!tpu.dma_semaphore, #tpu.memory_space<semaphore_mem>>
    %dma_start3A_128 = tpu.memref_squeeze %dma_start3A_127 : memref<1x!tpu.dma_semaphore, #tpu.memory_space<semaphore_mem>> -> memref<!tpu.dma_semaphore, #tpu.memory_space<semaphore_mem>>
    %dma_start3A_129 = arith.constant 0 : i32
    %dma_start3A_130 = tpu.memref_slice %arg3[%add3A_118, %dma_start3A_129] : memref<16384x2048xf32, #tpu.memory_space<hbm>> -> memref<32x2048xf32, #tpu.memory_space<hbm>>
    %dma_start3A_131 = arith.constant 0 : i32
    %dma_start3A_132 = arith.constant 0 : i32
    %dma_start3A_133 = tpu.memref_slice %arg4[%dma_start3A_119, %dma_start3A_131, %dma_start3A_132] : memref<2x32x2048xf32, #tpu.memory_space<vmem>> -> memref<1x32x2048xf32, #tpu.memory_space<vmem>>
    %dma_start3A_134 = tpu.memref_squeeze %dma_start3A_133 : memref<1x32x2048xf32, #tpu.memory_space<vmem>> -> memref<32x2048xf32, #tpu.memory_space<vmem>>
    tpu.enqueue_dma source(%dma_start3A_134 : memref<32x2048xf32, #tpu.memory_space<vmem>>) target(%dma_start3A_130 : memref<32x2048xf32, #tpu.memory_space<hbm>>) target_semaphore(%dma_start3A_128 : memref<!tpu.dma_semaphore, #tpu.memory_space<semaphore_mem>>)
    %add3A_135 = arith.constant 0 : i32
    %add3A_136 = arith.addi %mul3A_2, %add3A_135 : i32
    %add3A_137 = arith.constant 0 : i32
    %add3A_138 = arith.addi %add3A_137, %add3A_136 : i32
    %dma_wait3A_139 = arith.constant 0 : i32
    %dma_wait3A_140 = arith.constant 0 : i32
    %dma_wait3A_141 = arith.constant 0 : i32
    %dma_wait3A_142 = arith.constant 0 : i32
    %dma_wait3A_143 = tpu.memref_slice %arg4[%dma_wait3A_139, %dma_wait3A_141, %dma_wait3A_142] : memref<2x32x2048xf32, #tpu.memory_space<vmem>> -> memref<1x32x2048xf32, #tpu.memory_space<vmem>>
    %dma_wait3A_144 = tpu.memref_squeeze %dma_wait3A_143 : memref<1x32x2048xf32, #tpu.memory_space<vmem>> -> memref<32x2048xf32, #tpu.memory_space<vmem>>
    %dma_wait3A_145 = arith.constant 0 : i32
    %dma_wait3A_146 = tpu.memref_slice %arg3[%add3A_138, %dma_wait3A_145] : memref<16384x2048xf32, #tpu.memory_space<hbm>> -> memref<32x2048xf32, #tpu.memory_space<hbm>>
    %dma_wait3A_147 = tpu.memref_slice %arg6[%dma_wait3A_140] : memref<2x!tpu.dma_semaphore, #tpu.memory_space<semaphore_mem>> -> memref<1x!tpu.dma_semaphore, #tpu.memory_space<semaphore_mem>>
    %dma_wait3A_148 = tpu.memref_squeeze %dma_wait3A_147 : memref<1x!tpu.dma_semaphore, #tpu.memory_space<semaphore_mem>> -> memref<!tpu.dma_semaphore, #tpu.memory_space<semaphore_mem>>
    %dma_wait3A_149 = arith.constant 0 : i32
    %dma_wait3A_150 = tpu.memref_slice %arg3[%add3A_138, %dma_wait3A_149] : memref<16384x2048xf32, #tpu.memory_space<hbm>> -> memref<32x2048xf32, #tpu.memory_space<hbm>>
    %dma_wait3A_151 = arith.constant 0 : i32
    %dma_wait3A_152 = arith.constant 0 : i32
    %dma_wait3A_153 = tpu.memref_slice %arg4[%dma_wait3A_139, %dma_wait3A_151, %dma_wait3A_152] : memref<2x32x2048xf32, #tpu.memory_space<vmem>> -> memref<1x32x2048xf32, #tpu.memory_space<vmem>>
    %dma_wait3A_154 = tpu.memref_squeeze %dma_wait3A_153 : memref<1x32x2048xf32, #tpu.memory_space<vmem>> -> memref<32x2048xf32, #tpu.memory_space<vmem>>
    tpu.wait_dma2 semaphore(%dma_wait3A_148 : memref<!tpu.dma_semaphore, #tpu.memory_space<semaphore_mem>>) src(%dma_wait3A_154 : memref<32x2048xf32, #tpu.memory_space<vmem>>) dst(%dma_wait3A_150 : memref<32x2048xf32, #tpu.memory_space<hbm>>)
    %add3A_155 = arith.constant 0 : i32
    %add3A_156 = arith.addi %mul3A_2, %add3A_155 : i32
    %add3A_157 = arith.constant 4096 : i32
    %add3A_158 = arith.addi %add3A_157, %add3A_156 : i32
    %dma_wait3A_159 = arith.constant 0 : i32
    %dma_wait3A_160 = arith.constant 0 : i32
    %dma_wait3A_161 = arith.constant 0 : i32
    %dma_wait3A_162 = arith.constant 0 : i32
    %dma_wait3A_163 = tpu.memref_slice %arg4[%dma_wait3A_159, %dma_wait3A_161, %dma_wait3A_162] : memref<2x32x2048xf32, #tpu.memory_space<vmem>> -> memref<1x32x2048xf32, #tpu.memory_space<vmem>>
    %dma_wait3A_164 = tpu.memref_squeeze %dma_wait3A_163 : memref<1x32x2048xf32, #tpu.memory_space<vmem>> -> memref<32x2048xf32, #tpu.memory_space<vmem>>
    %dma_wait3A_165 = arith.constant 0 : i32
    %dma_wait3A_166 = tpu.memref_slice %arg3[%add3A_158, %dma_wait3A_165] : memref<16384x2048xf32, #tpu.memory_space<hbm>> -> memref<32x2048xf32, #tpu.memory_space<hbm>>
    %dma_wait3A_167 = tpu.memref_slice %arg6[%dma_wait3A_160] : memref<2x!tpu.dma_semaphore, #tpu.memory_space<semaphore_mem>> -> memref<1x!tpu.dma_semaphore, #tpu.memory_space<semaphore_mem>>
    %dma_wait3A_168 = tpu.memref_squeeze %dma_wait3A_167 : memref<1x!tpu.dma_semaphore, #tpu.memory_space<semaphore_mem>> -> memref<!tpu.dma_semaphore, #tpu.memory_space<semaphore_mem>>
    %dma_wait3A_169 = arith.constant 0 : i32
    %dma_wait3A_170 = tpu.memref_slice %arg3[%add3A_158, %dma_wait3A_169] : memref<16384x2048xf32, #tpu.memory_space<hbm>> -> memref<32x2048xf32, #tpu.memory_space<hbm>>
    %dma_wait3A_171 = arith.constant 0 : i32
    %dma_wait3A_172 = arith.constant 0 : i32
    %dma_wait3A_173 = tpu.memref_slice %arg4[%dma_wait3A_159, %dma_wait3A_171, %dma_wait3A_172] : memref<2x32x2048xf32, #tpu.memory_space<vmem>> -> memref<1x32x2048xf32, #tpu.memory_space<vmem>>
    %dma_wait3A_174 = tpu.memref_squeeze %dma_wait3A_173 : memref<1x32x2048xf32, #tpu.memory_space<vmem>> -> memref<32x2048xf32, #tpu.memory_space<vmem>>
    tpu.wait_dma2 semaphore(%dma_wait3A_168 : memref<!tpu.dma_semaphore, #tpu.memory_space<semaphore_mem>>) src(%dma_wait3A_174 : memref<32x2048xf32, #tpu.memory_space<vmem>>) dst(%dma_wait3A_170 : memref<32x2048xf32, #tpu.memory_space<hbm>>)
    %add3A_175 = arith.constant 0 : i32
    %add3A_176 = arith.addi %mul3A_2, %add3A_175 : i32
    %add3A_177 = arith.constant 8192 : i32
    %add3A_178 = arith.addi %add3A_177, %add3A_176 : i32
    %dma_wait3A_179 = arith.constant 0 : i32
    %dma_wait3A_180 = arith.constant 0 : i32
    %dma_wait3A_181 = arith.constant 0 : i32
    %dma_wait3A_182 = arith.constant 0 : i32
    %dma_wait3A_183 = tpu.memref_slice %arg4[%dma_wait3A_179, %dma_wait3A_181, %dma_wait3A_182] : memref<2x32x2048xf32, #tpu.memory_space<vmem>> -> memref<1x32x2048xf32, #tpu.memory_space<vmem>>
    %dma_wait3A_184 = tpu.memref_squeeze %dma_wait3A_183 : memref<1x32x2048xf32, #tpu.memory_space<vmem>> -> memref<32x2048xf32, #tpu.memory_space<vmem>>
    %dma_wait3A_185 = arith.constant 0 : i32
    %dma_wait3A_186 = tpu.memref_slice %arg3[%add3A_178, %dma_wait3A_185] : memref<16384x2048xf32, #tpu.memory_space<hbm>> -> memref<32x2048xf32, #tpu.memory_space<hbm>>
    %dma_wait3A_187 = tpu.memref_slice %arg6[%dma_wait3A_180] : memref<2x!tpu.dma_semaphore, #tpu.memory_space<semaphore_mem>> -> memref<1x!tpu.dma_semaphore, #tpu.memory_space<semaphore_mem>>
    %dma_wait3A_188 = tpu.memref_squeeze %dma_wait3A_187 : memref<1x!tpu.dma_semaphore, #tpu.memory_space<semaphore_mem>> -> memref<!tpu.dma_semaphore, #tpu.memory_space<semaphore_mem>>
    %dma_wait3A_189 = arith.constant 0 : i32
    %dma_wait3A_190 = tpu.memref_slice %arg3[%add3A_178, %dma_wait3A_189] : memref<16384x2048xf32, #tpu.memory_space<hbm>> -> memref<32x2048xf32, #tpu.memory_space<hbm>>
    %dma_wait3A_191 = arith.constant 0 : i32
    %dma_wait3A_192 = arith.constant 0 : i32
    %dma_wait3A_193 = tpu.memref_slice %arg4[%dma_wait3A_179, %dma_wait3A_191, %dma_wait3A_192] : memref<2x32x2048xf32, #tpu.memory_space<vmem>> -> memref<1x32x2048xf32, #tpu.memory_space<vmem>>
    %dma_wait3A_194 = tpu.memref_squeeze %dma_wait3A_193 : memref<1x32x2048xf32, #tpu.memory_space<vmem>> -> memref<32x2048xf32, #tpu.memory_space<vmem>>
    tpu.wait_dma2 semaphore(%dma_wait3A_188 : memref<!tpu.dma_semaphore, #tpu.memory_space<semaphore_mem>>) src(%dma_wait3A_194 : memref<32x2048xf32, #tpu.memory_space<vmem>>) dst(%dma_wait3A_190 : memref<32x2048xf32, #tpu.memory_space<hbm>>)
    %add3A_195 = arith.constant 0 : i32
    %add3A_196 = arith.addi %mul3A_2, %add3A_195 : i32
    %add3A_197 = arith.constant 12288 : i32
    %add3A_198 = arith.addi %add3A_197, %add3A_196 : i32
    %dma_wait3A_199 = arith.constant 0 : i32
    %dma_wait3A_200 = arith.constant 0 : i32
    %dma_wait3A_201 = arith.constant 0 : i32
    %dma_wait3A_202 = arith.constant 0 : i32
    %dma_wait3A_203 = tpu.memref_slice %arg4[%dma_wait3A_199, %dma_wait3A_201, %dma_wait3A_202] : memref<2x32x2048xf32, #tpu.memory_space<vmem>> -> memref<1x32x2048xf32, #tpu.memory_space<vmem>>
    %dma_wait3A_204 = tpu.memref_squeeze %dma_wait3A_203 : memref<1x32x2048xf32, #tpu.memory_space<vmem>> -> memref<32x2048xf32, #tpu.memory_space<vmem>>
    %dma_wait3A_205 = arith.constant 0 : i32
    %dma_wait3A_206 = tpu.memref_slice %arg3[%add3A_198, %dma_wait3A_205] : memref<16384x2048xf32, #tpu.memory_space<hbm>> -> memref<32x2048xf32, #tpu.memory_space<hbm>>
    %dma_wait3A_207 = tpu.memref_slice %arg6[%dma_wait3A_200] : memref<2x!tpu.dma_semaphore, #tpu.memory_space<semaphore_mem>> -> memref<1x!tpu.dma_semaphore, #tpu.memory_space<semaphore_mem>>
    %dma_wait3A_208 = tpu.memref_squeeze %dma_wait3A_207 : memref<1x!tpu.dma_semaphore, #tpu.memory_space<semaphore_mem>> -> memref<!tpu.dma_semaphore, #tpu.memory_space<semaphore_mem>>
    %dma_wait3A_209 = arith.constant 0 : i32
    %dma_wait3A_210 = tpu.memref_slice %arg3[%add3A_198, %dma_wait3A_209] : memref<16384x2048xf32, #tpu.memory_space<hbm>> -> memref<32x2048xf32, #tpu.memory_space<hbm>>
    %dma_wait3A_211 = arith.constant 0 : i32
    %dma_wait3A_212 = arith.constant 0 : i32
    %dma_wait3A_213 = tpu.memref_slice %arg4[%dma_wait3A_199, %dma_wait3A_211, %dma_wait3A_212] : memref<2x32x2048xf32, #tpu.memory_space<vmem>> -> memref<1x32x2048xf32, #tpu.memory_space<vmem>>
    %dma_wait3A_214 = tpu.memref_squeeze %dma_wait3A_213 : memref<1x32x2048xf32, #tpu.memory_space<vmem>> -> memref<32x2048xf32, #tpu.memory_space<vmem>>
    tpu.wait_dma2 semaphore(%dma_wait3A_208 : memref<!tpu.dma_semaphore, #tpu.memory_space<semaphore_mem>>) src(%dma_wait3A_214 : memref<32x2048xf32, #tpu.memory_space<vmem>>) dst(%dma_wait3A_210 : memref<32x2048xf32, #tpu.memory_space<hbm>>)
    %add3A_215 = arith.constant 64 : i32
    %add3A_216 = arith.addi %mul3A_2, %add3A_215 : i32
    %dma_start3A_217 = arith.constant 0 : i32
    %dma_start3A_218 = arith.constant 0 : i32
    %dma_start3A_219 = arith.constant 0 : i32
    %dma_start3A_220 = arith.constant 0 : i32
    %dma_start3A_221 = tpu.memref_slice %arg4[%dma_start3A_217, %dma_start3A_219, %dma_start3A_220] : memref<2x32x2048xf32, #tpu.memory_space<vmem>> -> memref<1x32x2048xf32, #tpu.memory_space<vmem>>
    %dma_start3A_222 = tpu.memref_squeeze %dma_start3A_221 : memref<1x32x2048xf32, #tpu.memory_space<vmem>> -> memref<32x2048xf32, #tpu.memory_space<vmem>>
    %dma_start3A_223 = arith.constant 0 : i32
    %dma_start3A_224 = tpu.memref_slice %arg2[%add3A_216, %dma_start3A_223] : memref<8192x2048xf32, #tpu.memory_space<hbm>> -> memref<32x2048xf32, #tpu.memory_space<hbm>>
    %dma_start3A_225 = tpu.memref_slice %arg5[%dma_start3A_218] : memref<2x!tpu.dma_semaphore, #tpu.memory_space<semaphore_mem>> -> memref<1x!tpu.dma_semaphore, #tpu.memory_space<semaphore_mem>>
    %dma_start3A_226 = tpu.memref_squeeze %dma_start3A_225 : memref<1x!tpu.dma_semaphore, #tpu.memory_space<semaphore_mem>> -> memref<!tpu.dma_semaphore, #tpu.memory_space<semaphore_mem>>
    %dma_start3A_227 = arith.constant 0 : i32
    %dma_start3A_228 = arith.constant 0 : i32
    %dma_start3A_229 = tpu.memref_slice %arg4[%dma_start3A_217, %dma_start3A_227, %dma_start3A_228] : memref<2x32x2048xf32, #tpu.memory_space<vmem>> -> memref<1x32x2048xf32, #tpu.memory_space<vmem>>
    %dma_start3A_230 = tpu.memref_squeeze %dma_start3A_229 : memref<1x32x2048xf32, #tpu.memory_space<vmem>> -> memref<32x2048xf32, #tpu.memory_space<vmem>>
    %dma_start3A_231 = arith.constant 0 : i32
    %dma_start3A_232 = tpu.memref_slice %arg2[%add3A_216, %dma_start3A_231] : memref<8192x2048xf32, #tpu.memory_space<hbm>> -> memref<32x2048xf32, #tpu.memory_space<hbm>>
    tpu.enqueue_dma source(%dma_start3A_232 : memref<32x2048xf32, #tpu.memory_space<hbm>>) target(%dma_start3A_230 : memref<32x2048xf32, #tpu.memory_space<vmem>>) target_semaphore(%dma_start3A_226 : memref<!tpu.dma_semaphore, #tpu.memory_space<semaphore_mem>>)
    %add3A_233 = arith.constant 32 : i32
    %add3A_234 = arith.addi %mul3A_2, %add3A_233 : i32
    %dma_wait3A_235 = arith.constant 1 : i32
    %dma_wait3A_236 = arith.constant 1 : i32
    %dma_wait3A_237 = arith.constant 0 : i32
    %dma_wait3A_238 = arith.constant 0 : i32
    %dma_wait3A_239 = tpu.memref_slice %arg4[%dma_wait3A_235, %dma_wait3A_237, %dma_wait3A_238] : memref<2x32x2048xf32, #tpu.memory_space<vmem>> -> memref<1x32x2048xf32, #tpu.memory_space<vmem>>
    %dma_wait3A_240 = tpu.memref_squeeze %dma_wait3A_239 : memref<1x32x2048xf32, #tpu.memory_space<vmem>> -> memref<32x2048xf32, #tpu.memory_space<vmem>>
    %dma_wait3A_241 = arith.constant 0 : i32
    %dma_wait3A_242 = tpu.memref_slice %arg2[%add3A_234, %dma_wait3A_241] : memref<8192x2048xf32, #tpu.memory_space<hbm>> -> memref<32x2048xf32, #tpu.memory_space<hbm>>
    %dma_wait3A_243 = tpu.memref_slice %arg5[%dma_wait3A_236] : memref<2x!tpu.dma_semaphore, #tpu.memory_space<semaphore_mem>> -> memref<1x!tpu.dma_semaphore, #tpu.memory_space<semaphore_mem>>
    %dma_wait3A_244 = tpu.memref_squeeze %dma_wait3A_243 : memref<1x!tpu.dma_semaphore, #tpu.memory_space<semaphore_mem>> -> memref<!tpu.dma_semaphore, #tpu.memory_space<semaphore_mem>>
    %dma_wait3A_245 = arith.constant 0 : i32
    %dma_wait3A_246 = arith.constant 0 : i32
    %dma_wait3A_247 = tpu.memref_slice %arg4[%dma_wait3A_235, %dma_wait3A_245, %dma_wait3A_246] : memref<2x32x2048xf32, #tpu.memory_space<vmem>> -> memref<1x32x2048xf32, #tpu.memory_space<vmem>>
    %dma_wait3A_248 = tpu.memref_squeeze %dma_wait3A_247 : memref<1x32x2048xf32, #tpu.memory_space<vmem>> -> memref<32x2048xf32, #tpu.memory_space<vmem>>
    %dma_wait3A_249 = arith.constant 0 : i32
    %dma_wait3A_250 = tpu.memref_slice %arg2[%add3A_234, %dma_wait3A_249] : memref<8192x2048xf32, #tpu.memory_space<hbm>> -> memref<32x2048xf32, #tpu.memory_space<hbm>>
    tpu.wait_dma2 semaphore(%dma_wait3A_244 : memref<!tpu.dma_semaphore, #tpu.memory_space<semaphore_mem>>) src(%dma_wait3A_250 : memref<32x2048xf32, #tpu.memory_space<hbm>>) dst(%dma_wait3A_248 : memref<32x2048xf32, #tpu.memory_space<vmem>>)
    %add3A_251 = arith.constant 32 : i32
    %add3A_252 = arith.addi %mul3A_2, %add3A_251 : i32
    %add3A_253 = arith.constant 0 : i32
    %add3A_254 = arith.addi %add3A_253, %add3A_252 : i32
    %dma_start3A_255 = arith.constant 1 : i32
    %dma_start3A_256 = arith.constant 1 : i32
    %dma_start3A_257 = arith.constant 0 : i32
    %dma_start3A_258 = arith.constant 0 : i32
    %dma_start3A_259 = tpu.memref_slice %arg4[%dma_start3A_255, %dma_start3A_257, %dma_start3A_258] : memref<2x32x2048xf32, #tpu.memory_space<vmem>> -> memref<1x32x2048xf32, #tpu.memory_space<vmem>>
    %dma_start3A_260 = tpu.memref_squeeze %dma_start3A_259 : memref<1x32x2048xf32, #tpu.memory_space<vmem>> -> memref<32x2048xf32, #tpu.memory_space<vmem>>
    %dma_start3A_261 = arith.constant 0 : i32
    %dma_start3A_262 = tpu.memref_slice %arg3[%add3A_254, %dma_start3A_261] : memref<16384x2048xf32, #tpu.memory_space<hbm>> -> memref<32x2048xf32, #tpu.memory_space<hbm>>
    %dma_start3A_263 = tpu.memref_slice %arg6[%dma_start3A_256] : memref<2x!tpu.dma_semaphore, #tpu.memory_space<semaphore_mem>> -> memref<1x!tpu.dma_semaphore, #tpu.memory_space<semaphore_mem>>
    %dma_start3A_264 = tpu.memref_squeeze %dma_start3A_263 : memref<1x!tpu.dma_semaphore, #tpu.memory_space<semaphore_mem>> -> memref<!tpu.dma_semaphore, #tpu.memory_space<semaphore_mem>>
    %dma_start3A_265 = arith.constant 0 : i32
    %dma_start3A_266 = tpu.memref_slice %arg3[%add3A_254, %dma_start3A_265] : memref<16384x2048xf32, #tpu.memory_space<hbm>> -> memref<32x2048xf32, #tpu.memory_space<hbm>>
    %dma_start3A_267 = arith.constant 0 : i32
    %dma_start3A_268 = arith.constant 0 : i32
    %dma_start3A_269 = tpu.memref_slice %arg4[%dma_start3A_255, %dma_start3A_267, %dma_start3A_268] : memref<2x32x2048xf32, #tpu.memory_space<vmem>> -> memref<1x32x2048xf32, #tpu.memory_space<vmem>>
    %dma_start3A_270 = tpu.memref_squeeze %dma_start3A_269 : memref<1x32x2048xf32, #tpu.memory_space<vmem>> -> memref<32x2048xf32, #tpu.memory_space<vmem>>
    tpu.enqueue_dma source(%dma_start3A_270 : memref<32x2048xf32, #tpu.memory_space<vmem>>) target(%dma_start3A_266 : memref<32x2048xf32, #tpu.memory_space<hbm>>) target_semaphore(%dma_start3A_264 : memref<!tpu.dma_semaphore, #tpu.memory_space<semaphore_mem>>)
    %add3A_271 = arith.constant 32 : i32
    %add3A_272 = arith.addi %mul3A_2, %add3A_271 : i32
    %add3A_273 = arith.constant 4096 : i32
    %add3A_274 = arith.addi %add3A_273, %add3A_272 : i32
    %dma_start3A_275 = arith.constant 1 : i32
    %dma_start3A_276 = arith.constant 1 : i32
    %dma_start3A_277 = arith.constant 0 : i32
    %dma_start3A_278 = arith.constant 0 : i32
    %dma_start3A_279 = tpu.memref_slice %arg4[%dma_start3A_275, %dma_start3A_277, %dma_start3A_278] : memref<2x32x2048xf32, #tpu.memory_space<vmem>> -> memref<1x32x2048xf32, #tpu.memory_space<vmem>>
    %dma_start3A_280 = tpu.memref_squeeze %dma_start3A_279 : memref<1x32x2048xf32, #tpu.memory_space<vmem>> -> memref<32x2048xf32, #tpu.memory_space<vmem>>
    %dma_start3A_281 = arith.constant 0 : i32
    %dma_start3A_282 = tpu.memref_slice %arg3[%add3A_274, %dma_start3A_281] : memref<16384x2048xf32, #tpu.memory_space<hbm>> -> memref<32x2048xf32, #tpu.memory_space<hbm>>
    %dma_start3A_283 = tpu.memref_slice %arg6[%dma_start3A_276] : memref<2x!tpu.dma_semaphore, #tpu.memory_space<semaphore_mem>> -> memref<1x!tpu.dma_semaphore, #tpu.memory_space<semaphore_mem>>
    %dma_start3A_284 = tpu.memref_squeeze %dma_start3A_283 : memref<1x!tpu.dma_semaphore, #tpu.memory_space<semaphore_mem>> -> memref<!tpu.dma_semaphore, #tpu.memory_space<semaphore_mem>>
    %dma_start3A_285 = arith.constant 0 : i32
    %dma_start3A_286 = tpu.memref_slice %arg3[%add3A_274, %dma_start3A_285] : memref<16384x2048xf32, #tpu.memory_space<hbm>> -> memref<32x2048xf32, #tpu.memory_space<hbm>>
    %dma_start3A_287 = arith.constant 0 : i32
    %dma_start3A_288 = arith.constant 0 : i32
    %dma_start3A_289 = tpu.memref_slice %arg4[%dma_start3A_275, %dma_start3A_287, %dma_start3A_288] : memref<2x32x2048xf32, #tpu.memory_space<vmem>> -> memref<1x32x2048xf32, #tpu.memory_space<vmem>>
    %dma_start3A_290 = tpu.memref_squeeze %dma_start3A_289 : memref<1x32x2048xf32, #tpu.memory_space<vmem>> -> memref<32x2048xf32, #tpu.memory_space<vmem>>
    tpu.enqueue_dma source(%dma_start3A_290 : memref<32x2048xf32, #tpu.memory_space<vmem>>) target(%dma_start3A_286 : memref<32x2048xf32, #tpu.memory_space<hbm>>) target_semaphore(%dma_start3A_284 : memref<!tpu.dma_semaphore, #tpu.memory_space<semaphore_mem>>)
    %add3A_291 = arith.constant 32 : i32
    %add3A_292 = arith.addi %mul3A_2, %add3A_291 : i32
    %add3A_293 = arith.constant 8192 : i32
    %add3A_294 = arith.addi %add3A_293, %add3A_292 : i32
    %dma_start3A_295 = arith.constant 1 : i32
    %dma_start3A_296 = arith.constant 1 : i32
    %dma_start3A_297 = arith.constant 0 : i32
    %dma_start3A_298 = arith.constant 0 : i32
    %dma_start3A_299 = tpu.memref_slice %arg4[%dma_start3A_295, %dma_start3A_297, %dma_start3A_298] : memref<2x32x2048xf32, #tpu.memory_space<vmem>> -> memref<1x32x2048xf32, #tpu.memory_space<vmem>>
    %dma_start3A_300 = tpu.memref_squeeze %dma_start3A_299 : memref<1x32x2048xf32, #tpu.memory_space<vmem>> -> memref<32x2048xf32, #tpu.memory_space<vmem>>
    %dma_start3A_301 = arith.constant 0 : i32
    %dma_start3A_302 = tpu.memref_slice %arg3[%add3A_294, %dma_start3A_301] : memref<16384x2048xf32, #tpu.memory_space<hbm>> -> memref<32x2048xf32, #tpu.memory_space<hbm>>
    %dma_start3A_303 = tpu.memref_slice %arg6[%dma_start3A_296] : memref<2x!tpu.dma_semaphore, #tpu.memory_space<semaphore_mem>> -> memref<1x!tpu.dma_semaphore, #tpu.memory_space<semaphore_mem>>
    %dma_start3A_304 = tpu.memref_squeeze %dma_start3A_303 : memref<1x!tpu.dma_semaphore, #tpu.memory_space<semaphore_mem>> -> memref<!tpu.dma_semaphore, #tpu.memory_space<semaphore_mem>>
    %dma_start3A_305 = arith.constant 0 : i32
    %dma_start3A_306 = tpu.memref_slice %arg3[%add3A_294, %dma_start3A_305] : memref<16384x2048xf32, #tpu.memory_space<hbm>> -> memref<32x2048xf32, #tpu.memory_space<hbm>>
    %dma_start3A_307 = arith.constant 0 : i32
    %dma_start3A_308 = arith.constant 0 : i32
    %dma_start3A_309 = tpu.memref_slice %arg4[%dma_start3A_295, %dma_start3A_307, %dma_start3A_308] : memref<2x32x2048xf32, #tpu.memory_space<vmem>> -> memref<1x32x2048xf32, #tpu.memory_space<vmem>>
    %dma_start3A_310 = tpu.memref_squeeze %dma_start3A_309 : memref<1x32x2048xf32, #tpu.memory_space<vmem>> -> memref<32x2048xf32, #tpu.memory_space<vmem>>
    tpu.enqueue_dma source(%dma_start3A_310 : memref<32x2048xf32, #tpu.memory_space<vmem>>) target(%dma_start3A_306 : memref<32x2048xf32, #tpu.memory_space<hbm>>) target_semaphore(%dma_start3A_304 : memref<!tpu.dma_semaphore, #tpu.memory_space<semaphore_mem>>)
    %add3A_311 = arith.constant 32 : i32
    %add3A_312 = arith.addi %mul3A_2, %add3A_311 : i32
    %add3A_313 = arith.constant 12288 : i32
    %add3A_314 = arith.addi %add3A_313, %add3A_312 : i32
    %dma_start3A_315 = arith.constant 1 : i32
    %dma_start3A_316 = arith.constant 1 : i32
    %dma_start3A_317 = arith.constant 0 : i32
    %dma_start3A_318 = arith.constant 0 : i32
    %dma_start3A_319 = tpu.memref_slice %arg4[%dma_start3A_315, %dma_start3A_317, %dma_start3A_318] : memref<2x32x2048xf32, #tpu.memory_space<vmem>> -> memref<1x32x2048xf32, #tpu.memory_space<vmem>>
    %dma_start3A_320 = tpu.memref_squeeze %dma_start3A_319 : memref<1x32x2048xf32, #tpu.memory_space<vmem>> -> memref<32x2048xf32, #tpu.memory_space<vmem>>
    %dma_start3A_321 = arith.constant 0 : i32
    %dma_start3A_322 = tpu.memref_slice %arg3[%add3A_314, %dma_start3A_321] : memref<16384x2048xf32, #tpu.memory_space<hbm>> -> memref<32x2048xf32, #tpu.memory_space<hbm>>
    %dma_start3A_323 = tpu.memref_slice %arg6[%dma_start3A_316] : memref<2x!tpu.dma_semaphore, #tpu.memory_space<semaphore_mem>> -> memref<1x!tpu.dma_semaphore, #tpu.memory_space<semaphore_mem>>
    %dma_start3A_324 = tpu.memref_squeeze %dma_start3A_323 : memref<1x!tpu.dma_semaphore, #tpu.memory_space<semaphore_mem>> -> memref<!tpu.dma_semaphore, #tpu.memory_space<semaphore_mem>>
    %dma_start3A_325 = arith.constant 0 : i32
    %dma_start3A_326 = tpu.memref_slice %arg3[%add3A_314, %dma_start3A_325] : memref<16384x2048xf32, #tpu.memory_space<hbm>> -> memref<32x2048xf32, #tpu.memory_space<hbm>>
    %dma_start3A_327 = arith.constant 0 : i32
    %dma_start3A_328 = arith.constant 0 : i32
    %dma_start3A_329 = tpu.memref_slice %arg4[%dma_start3A_315, %dma_start3A_327, %dma_start3A_328] : memref<2x32x2048xf32, #tpu.memory_space<vmem>> -> memref<1x32x2048xf32, #tpu.memory_space<vmem>>
    %dma_start3A_330 = tpu.memref_squeeze %dma_start3A_329 : memref<1x32x2048xf32, #tpu.memory_space<vmem>> -> memref<32x2048xf32, #tpu.memory_space<vmem>>
    tpu.enqueue_dma source(%dma_start3A_330 : memref<32x2048xf32, #tpu.memory_space<vmem>>) target(%dma_start3A_326 : memref<32x2048xf32, #tpu.memory_space<hbm>>) target_semaphore(%dma_start3A_324 : memref<!tpu.dma_semaphore, #tpu.memory_space<semaphore_mem>>)
    %add3A_331 = arith.constant 32 : i32
    %add3A_332 = arith.addi %mul3A_2, %add3A_331 : i32
    %add3A_333 = arith.constant 0 : i32
    %add3A_334 = arith.addi %add3A_333, %add3A_332 : i32
    %dma_wait3A_335 = arith.constant 1 : i32
    %dma_wait3A_336 = arith.constant 1 : i32
    %dma_wait3A_337 = arith.constant 0 : i32
    %dma_wait3A_338 = arith.constant 0 : i32
    %dma_wait3A_339 = tpu.memref_slice %arg4[%dma_wait3A_335, %dma_wait3A_337, %dma_wait3A_338] : memref<2x32x2048xf32, #tpu.memory_space<vmem>> -> memref<1x32x2048xf32, #tpu.memory_space<vmem>>
    %dma_wait3A_340 = tpu.memref_squeeze %dma_wait3A_339 : memref<1x32x2048xf32, #tpu.memory_space<vmem>> -> memref<32x2048xf32, #tpu.memory_space<vmem>>
    %dma_wait3A_341 = arith.constant 0 : i32
    %dma_wait3A_342 = tpu.memref_slice %arg3[%add3A_334, %dma_wait3A_341] : memref<16384x2048xf32, #tpu.memory_space<hbm>> -> memref<32x2048xf32, #tpu.memory_space<hbm>>
    %dma_wait3A_343 = tpu.memref_slice %arg6[%dma_wait3A_336] : memref<2x!tpu.dma_semaphore, #tpu.memory_space<semaphore_mem>> -> memref<1x!tpu.dma_semaphore, #tpu.memory_space<semaphore_mem>>
    %dma_wait3A_344 = tpu.memref_squeeze %dma_wait3A_343 : memref<1x!tpu.dma_semaphore, #tpu.memory_space<semaphore_mem>> -> memref<!tpu.dma_semaphore, #tpu.memory_space<semaphore_mem>>
    %dma_wait3A_345 = arith.constant 0 : i32
    %dma_wait3A_346 = tpu.memref_slice %arg3[%add3A_334, %dma_wait3A_345] : memref<16384x2048xf32, #tpu.memory_space<hbm>> -> memref<32x2048xf32, #tpu.memory_space<hbm>>
    %dma_wait3A_347 = arith.constant 0 : i32
    %dma_wait3A_348 = arith.constant 0 : i32
    %dma_wait3A_349 = tpu.memref_slice %arg4[%dma_wait3A_335, %dma_wait3A_347, %dma_wait3A_348] : memref<2x32x2048xf32, #tpu.memory_space<vmem>> -> memref<1x32x2048xf32, #tpu.memory_space<vmem>>
    %dma_wait3A_350 = tpu.memref_squeeze %dma_wait3A_349 : memref<1x32x2048xf32, #tpu.memory_space<vmem>> -> memref<32x2048xf32, #tpu.memory_space<vmem>>
    tpu.wait_dma2 semaphore(%dma_wait3A_344 : memref<!tpu.dma_semaphore, #tpu.memory_space<semaphore_mem>>) src(%dma_wait3A_350 : memref<32x2048xf32, #tpu.memory_space<vmem>>) dst(%dma_wait3A_346 : memref<32x2048xf32, #tpu.memory_space<hbm>>)
    %add3A_351 = arith.constant 32 : i32
    %add3A_352 = arith.addi %mul3A_2, %add3A_351 : i32
    %add3A_353 = arith.constant 4096 : i32
    %add3A_354 = arith.addi %add3A_353, %add3A_352 : i32
    %dma_wait3A_355 = arith.constant 1 : i32
    %dma_wait3A_356 = arith.constant 1 : i32
    %dma_wait3A_357 = arith.constant 0 : i32
    %dma_wait3A_358 = arith.constant 0 : i32
    %dma_wait3A_359 = tpu.memref_slice %arg4[%dma_wait3A_355, %dma_wait3A_357, %dma_wait3A_358] : memref<2x32x2048xf32, #tpu.memory_space<vmem>> -> memref<1x32x2048xf32, #tpu.memory_space<vmem>>
    %dma_wait3A_360 = tpu.memref_squeeze %dma_wait3A_359 : memref<1x32x2048xf32, #tpu.memory_space<vmem>> -> memref<32x2048xf32, #tpu.memory_space<vmem>>
    %dma_wait3A_361 = arith.constant 0 : i32
    %dma_wait3A_362 = tpu.memref_slice %arg3[%add3A_354, %dma_wait3A_361] : memref<16384x2048xf32, #tpu.memory_space<hbm>> -> memref<32x2048xf32, #tpu.memory_space<hbm>>
    %dma_wait3A_363 = tpu.memref_slice %arg6[%dma_wait3A_356] : memref<2x!tpu.dma_semaphore, #tpu.memory_space<semaphore_mem>> -> memref<1x!tpu.dma_semaphore, #tpu.memory_space<semaphore_mem>>
    %dma_wait3A_364 = tpu.memref_squeeze %dma_wait3A_363 : memref<1x!tpu.dma_semaphore, #tpu.memory_space<semaphore_mem>> -> memref<!tpu.dma_semaphore, #tpu.memory_space<semaphore_mem>>
    %dma_wait3A_365 = arith.constant 0 : i32
    %dma_wait3A_366 = tpu.memref_slice %arg3[%add3A_354, %dma_wait3A_365] : memref<16384x2048xf32, #tpu.memory_space<hbm>> -> memref<32x2048xf32, #tpu.memory_space<hbm>>
    %dma_wait3A_367 = arith.constant 0 : i32
    %dma_wait3A_368 = arith.constant 0 : i32
    %dma_wait3A_369 = tpu.memref_slice %arg4[%dma_wait3A_355, %dma_wait3A_367, %dma_wait3A_368] : memref<2x32x2048xf32, #tpu.memory_space<vmem>> -> memref<1x32x2048xf32, #tpu.memory_space<vmem>>
    %dma_wait3A_370 = tpu.memref_squeeze %dma_wait3A_369 : memref<1x32x2048xf32, #tpu.memory_space<vmem>> -> memref<32x2048xf32, #tpu.memory_space<vmem>>
    tpu.wait_dma2 semaphore(%dma_wait3A_364 : memref<!tpu.dma_semaphore, #tpu.memory_space<semaphore_mem>>) src(%dma_wait3A_370 : memref<32x2048xf32, #tpu.memory_space<vmem>>) dst(%dma_wait3A_366 : memref<32x2048xf32, #tpu.memory_space<hbm>>)
    %add3A_371 = arith.constant 32 : i32
    %add3A_372 = arith.addi %mul3A_2, %add3A_371 : i32
    %add3A_373 = arith.constant 8192 : i32
    %add3A_374 = arith.addi %add3A_373, %add3A_372 : i32
    %dma_wait3A_375 = arith.constant 1 : i32
    %dma_wait3A_376 = arith.constant 1 : i32
    %dma_wait3A_377 = arith.constant 0 : i32
    %dma_wait3A_378 = arith.constant 0 : i32
    %dma_wait3A_379 = tpu.memref_slice %arg4[%dma_wait3A_375, %dma_wait3A_377, %dma_wait3A_378] : memref<2x32x2048xf32, #tpu.memory_space<vmem>> -> memref<1x32x2048xf32, #tpu.memory_space<vmem>>
    %dma_wait3A_380 = tpu.memref_squeeze %dma_wait3A_379 : memref<1x32x2048xf32, #tpu.memory_space<vmem>> -> memref<32x2048xf32, #tpu.memory_space<vmem>>
    %dma_wait3A_381 = arith.constant 0 : i32
    %dma_wait3A_382 = tpu.memref_slice %arg3[%add3A_374, %dma_wait3A_381] : memref<16384x2048xf32, #tpu.memory_space<hbm>> -> memref<32x2048xf32, #tpu.memory_space<hbm>>
    %dma_wait3A_383 = tpu.memref_slice %arg6[%dma_wait3A_376] : memref<2x!tpu.dma_semaphore, #tpu.memory_space<semaphore_mem>> -> memref<1x!tpu.dma_semaphore, #tpu.memory_space<semaphore_mem>>
    %dma_wait3A_384 = tpu.memref_squeeze %dma_wait3A_383 : memref<1x!tpu.dma_semaphore, #tpu.memory_space<semaphore_mem>> -> memref<!tpu.dma_semaphore, #tpu.memory_space<semaphore_mem>>
    %dma_wait3A_385 = arith.constant 0 : i32
    %dma_wait3A_386 = tpu.memref_slice %arg3[%add3A_374, %dma_wait3A_385] : memref<16384x2048xf32, #tpu.memory_space<hbm>> -> memref<32x2048xf32, #tpu.memory_space<hbm>>
    %dma_wait3A_387 = arith.constant 0 : i32
    %dma_wait3A_388 = arith.constant 0 : i32
    %dma_wait3A_389 = tpu.memref_slice %arg4[%dma_wait3A_375, %dma_wait3A_387, %dma_wait3A_388] : memref<2x32x2048xf32, #tpu.memory_space<vmem>> -> memref<1x32x2048xf32, #tpu.memory_space<vmem>>
    %dma_wait3A_390 = tpu.memref_squeeze %dma_wait3A_389 : memref<1x32x2048xf32, #tpu.memory_space<vmem>> -> memref<32x2048xf32, #tpu.memory_space<vmem>>
    tpu.wait_dma2 semaphore(%dma_wait3A_384 : memref<!tpu.dma_semaphore, #tpu.memory_space<semaphore_mem>>) src(%dma_wait3A_390 : memref<32x2048xf32, #tpu.memory_space<vmem>>) dst(%dma_wait3A_386 : memref<32x2048xf32, #tpu.memory_space<hbm>>)
    %add3A_391 = arith.constant 32 : i32
    %add3A_392 = arith.addi %mul3A_2, %add3A_391 : i32
    %add3A_393 = arith.constant 12288 : i32
    %add3A_394 = arith.addi %add3A_393, %add3A_392 : i32
    %dma_wait3A_395 = arith.constant 1 : i32
    %dma_wait3A_396 = arith.constant 1 : i32
    %dma_wait3A_397 = arith.constant 0 : i32
    %dma_wait3A_398 = arith.constant 0 : i32
    %dma_wait3A_399 = tpu.memref_slice %arg4[%dma_wait3A_395, %dma_wait3A_397, %dma_wait3A_398] : memref<2x32x2048xf32, #tpu.memory_space<vmem>> -> memref<1x32x2048xf32, #tpu.memory_space<vmem>>
    %dma_wait3A_400 = tpu.memref_squeeze %dma_wait3A_399 : memref<1x32x2048xf32, #tpu.memory_space<vmem>> -> memref<32x2048xf32, #tpu.memory_space<vmem>>
    %dma_wait3A_401 = arith.constant 0 : i32
    %dma_wait3A_402 = tpu.memref_slice %arg3[%add3A_394, %dma_wait3A_401] : memref<16384x2048xf32, #tpu.memory_space<hbm>> -> memref<32x2048xf32, #tpu.memory_space<hbm>>
    %dma_wait3A_403 = tpu.memref_slice %arg6[%dma_wait3A_396] : memref<2x!tpu.dma_semaphore, #tpu.memory_space<semaphore_mem>> -> memref<1x!tpu.dma_semaphore, #tpu.memory_space<semaphore_mem>>
    %dma_wait3A_404 = tpu.memref_squeeze %dma_wait3A_403 : memref<1x!tpu.dma_semaphore, #tpu.memory_space<semaphore_mem>> -> memref<!tpu.dma_semaphore, #tpu.memory_space<semaphore_mem>>
    %dma_wait3A_405 = arith.constant 0 : i32
    %dma_wait3A_406 = tpu.memref_slice %arg3[%add3A_394, %dma_wait3A_405] : memref<16384x2048xf32, #tpu.memory_space<hbm>> -> memref<32x2048xf32, #tpu.memory_space<hbm>>
    %dma_wait3A_407 = arith.constant 0 : i32
    %dma_wait3A_408 = arith.constant 0 : i32
    %dma_wait3A_409 = tpu.memref_slice %arg4[%dma_wait3A_395, %dma_wait3A_407, %dma_wait3A_408] : memref<2x32x2048xf32, #tpu.memory_space<vmem>> -> memref<1x32x2048xf32, #tpu.memory_space<vmem>>
    %dma_wait3A_410 = tpu.memref_squeeze %dma_wait3A_409 : memref<1x32x2048xf32, #tpu.memory_space<vmem>> -> memref<32x2048xf32, #tpu.memory_space<vmem>>
    tpu.wait_dma2 semaphore(%dma_wait3A_404 : memref<!tpu.dma_semaphore, #tpu.memory_space<semaphore_mem>>) src(%dma_wait3A_410 : memref<32x2048xf32, #tpu.memory_space<vmem>>) dst(%dma_wait3A_406 : memref<32x2048xf32, #tpu.memory_space<hbm>>)
    %add3A_411 = arith.constant 96 : i32
    %add3A_412 = arith.addi %mul3A_2, %add3A_411 : i32
    %dma_start3A_413 = arith.constant 1 : i32
    %dma_start3A_414 = arith.constant 1 : i32
    %dma_start3A_415 = arith.constant 0 : i32
    %dma_start3A_416 = arith.constant 0 : i32
    %dma_start3A_417 = tpu.memref_slice %arg4[%dma_start3A_413, %dma_start3A_415, %dma_start3A_416] : memref<2x32x2048xf32, #tpu.memory_space<vmem>> -> memref<1x32x2048xf32, #tpu.memory_space<vmem>>
    %dma_start3A_418 = tpu.memref_squeeze %dma_start3A_417 : memref<1x32x2048xf32, #tpu.memory_space<vmem>> -> memref<32x2048xf32, #tpu.memory_space<vmem>>
    %dma_start3A_419 = arith.constant 0 : i32
    %dma_start3A_420 = tpu.memref_slice %arg2[%add3A_412, %dma_start3A_419] : memref<8192x2048xf32, #tpu.memory_space<hbm>> -> memref<32x2048xf32, #tpu.memory_space<hbm>>
    %dma_start3A_421 = tpu.memref_slice %arg5[%dma_start3A_414] : memref<2x!tpu.dma_semaphore, #tpu.memory_space<semaphore_mem>> -> memref<1x!tpu.dma_semaphore, #tpu.memory_space<semaphore_mem>>
    %dma_start3A_422 = tpu.memref_squeeze %dma_start3A_421 : memref<1x!tpu.dma_semaphore, #tpu.memory_space<semaphore_mem>> -> memref<!tpu.dma_semaphore, #tpu.memory_space<semaphore_mem>>
    %dma_start3A_423 = arith.constant 0 : i32
    %dma_start3A_424 = arith.constant 0 : i32
    %dma_start3A_425 = tpu.memref_slice %arg4[%dma_start3A_413, %dma_start3A_423, %dma_start3A_424] : memref<2x32x2048xf32, #tpu.memory_space<vmem>> -> memref<1x32x2048xf32, #tpu.memory_space<vmem>>
    %dma_start3A_426 = tpu.memref_squeeze %dma_start3A_425 : memref<1x32x2048xf32, #tpu.memory_space<vmem>> -> memref<32x2048xf32, #tpu.memory_space<vmem>>
    %dma_start3A_427 = arith.constant 0 : i32
    %dma_start3A_428 = tpu.memref_slice %arg2[%add3A_412, %dma_start3A_427] : memref<8192x2048xf32, #tpu.memory_space<hbm>> -> memref<32x2048xf32, #tpu.memory_space<hbm>>
    tpu.enqueue_dma source(%dma_start3A_428 : memref<32x2048xf32, #tpu.memory_space<hbm>>) target(%dma_start3A_426 : memref<32x2048xf32, #tpu.memory_space<vmem>>) target_semaphore(%dma_start3A_422 : memref<!tpu.dma_semaphore, #tpu.memory_space<semaphore_mem>>)
    %add3A_429 = arith.constant 64 : i32
    %add3A_430 = arith.addi %mul3A_2, %add3A_429 : i32
    %dma_wait3A_431 = arith.constant 0 : i32
    %dma_wait3A_432 = arith.constant 0 : i32
    %dma_wait3A_433 = arith.constant 0 : i32
    %dma_wait3A_434 = arith.constant 0 : i32
    %dma_wait3A_435 = tpu.memref_slice %arg4[%dma_wait3A_431, %dma_wait3A_433, %dma_wait3A_434] : memref<2x32x2048xf32, #tpu.memory_space<vmem>> -> memref<1x32x2048xf32, #tpu.memory_space<vmem>>
    %dma_wait3A_436 = tpu.memref_squeeze %dma_wait3A_435 : memref<1x32x2048xf32, #tpu.memory_space<vmem>> -> memref<32x2048xf32, #tpu.memory_space<vmem>>
    %dma_wait3A_437 = arith.constant 0 : i32
    %dma_wait3A_438 = tpu.memref_slice %arg2[%add3A_430, %dma_wait3A_437] : memref<8192x2048xf32, #tpu.memory_space<hbm>> -> memref<32x2048xf32, #tpu.memory_space<hbm>>
    %dma_wait3A_439 = tpu.memref_slice %arg5[%dma_wait3A_432] : memref<2x!tpu.dma_semaphore, #tpu.memory_space<semaphore_mem>> -> memref<1x!tpu.dma_semaphore, #tpu.memory_space<semaphore_mem>>
    %dma_wait3A_440 = tpu.memref_squeeze %dma_wait3A_439 : memref<1x!tpu.dma_semaphore, #tpu.memory_space<semaphore_mem>> -> memref<!tpu.dma_semaphore, #tpu.memory_space<semaphore_mem>>
    %dma_wait3A_441 = arith.constant 0 : i32
    %dma_wait3A_442 = arith.constant 0 : i32
    %dma_wait3A_443 = tpu.memref_slice %arg4[%dma_wait3A_431, %dma_wait3A_441, %dma_wait3A_442] : memref<2x32x2048xf32, #tpu.memory_space<vmem>> -> memref<1x32x2048xf32, #tpu.memory_space<vmem>>
    %dma_wait3A_444 = tpu.memref_squeeze %dma_wait3A_443 : memref<1x32x2048xf32, #tpu.memory_space<vmem>> -> memref<32x2048xf32, #tpu.memory_space<vmem>>
    %dma_wait3A_445 = arith.constant 0 : i32
    %dma_wait3A_446 = tpu.memref_slice %arg2[%add3A_430, %dma_wait3A_445] : memref<8192x2048xf32, #tpu.memory_space<hbm>> -> memref<32x2048xf32, #tpu.memory_space<hbm>>
    tpu.wait_dma2 semaphore(%dma_wait3A_440 : memref<!tpu.dma_semaphore, #tpu.memory_space<semaphore_mem>>) src(%dma_wait3A_446 : memref<32x2048xf32, #tpu.memory_space<hbm>>) dst(%dma_wait3A_444 : memref<32x2048xf32, #tpu.memory_space<vmem>>)
    %add3A_447 = arith.constant 64 : i32
    %add3A_448 = arith.addi %mul3A_2, %add3A_447 : i32
    %add3A_449 = arith.constant 0 : i32
    %add3A_450 = arith.addi %add3A_449, %add3A_448 : i32
    %dma_start3A_451 = arith.constant 0 : i32
    %dma_start3A_452 = arith.constant 0 : i32
    %dma_start3A_453 = arith.constant 0 : i32
    %dma_start3A_454 = arith.constant 0 : i32
    %dma_start3A_455 = tpu.memref_slice %arg4[%dma_start3A_451, %dma_start3A_453, %dma_start3A_454] : memref<2x32x2048xf32, #tpu.memory_space<vmem>> -> memref<1x32x2048xf32, #tpu.memory_space<vmem>>
    %dma_start3A_456 = tpu.memref_squeeze %dma_start3A_455 : memref<1x32x2048xf32, #tpu.memory_space<vmem>> -> memref<32x2048xf32, #tpu.memory_space<vmem>>
    %dma_start3A_457 = arith.constant 0 : i32
    %dma_start3A_458 = tpu.memref_slice %arg3[%add3A_450, %dma_start3A_457] : memref<16384x2048xf32, #tpu.memory_space<hbm>> -> memref<32x2048xf32, #tpu.memory_space<hbm>>
    %dma_start3A_459 = tpu.memref_slice %arg6[%dma_start3A_452] : memref<2x!tpu.dma_semaphore, #tpu.memory_space<semaphore_mem>> -> memref<1x!tpu.dma_semaphore, #tpu.memory_space<semaphore_mem>>
    %dma_start3A_460 = tpu.memref_squeeze %dma_start3A_459 : memref<1x!tpu.dma_semaphore, #tpu.memory_space<semaphore_mem>> -> memref<!tpu.dma_semaphore, #tpu.memory_space<semaphore_mem>>
    %dma_start3A_461 = arith.constant 0 : i32
    %dma_start3A_462 = tpu.memref_slice %arg3[%add3A_450, %dma_start3A_461] : memref<16384x2048xf32, #tpu.memory_space<hbm>> -> memref<32x2048xf32, #tpu.memory_space<hbm>>
    %dma_start3A_463 = arith.constant 0 : i32
    %dma_start3A_464 = arith.constant 0 : i32
    %dma_start3A_465 = tpu.memref_slice %arg4[%dma_start3A_451, %dma_start3A_463, %dma_start3A_464] : memref<2x32x2048xf32, #tpu.memory_space<vmem>> -> memref<1x32x2048xf32, #tpu.memory_space<vmem>>
    %dma_start3A_466 = tpu.memref_squeeze %dma_start3A_465 : memref<1x32x2048xf32, #tpu.memory_space<vmem>> -> memref<32x2048xf32, #tpu.memory_space<vmem>>
    tpu.enqueue_dma source(%dma_start3A_466 : memref<32x2048xf32, #tpu.memory_space<vmem>>) target(%dma_start3A_462 : memref<32x2048xf32, #tpu.memory_space<hbm>>) target_semaphore(%dma_start3A_460 : memref<!tpu.dma_semaphore, #tpu.memory_space<semaphore_mem>>)
    %add3A_467 = arith.constant 64 : i32
    %add3A_468 = arith.addi %mul3A_2, %add3A_467 : i32
    %add3A_469 = arith.constant 4096 : i32
    %add3A_470 = arith.addi %add3A_469, %add3A_468 : i32
    %dma_start3A_471 = arith.constant 0 : i32
    %dma_start3A_472 = arith.constant 0 : i32
    %dma_start3A_473 = arith.constant 0 : i32
    %dma_start3A_474 = arith.constant 0 : i32
    %dma_start3A_475 = tpu.memref_slice %arg4[%dma_start3A_471, %dma_start3A_473, %dma_start3A_474] : memref<2x32x2048xf32, #tpu.memory_space<vmem>> -> memref<1x32x2048xf32, #tpu.memory_space<vmem>>
    %dma_start3A_476 = tpu.memref_squeeze %dma_start3A_475 : memref<1x32x2048xf32, #tpu.memory_space<vmem>> -> memref<32x2048xf32, #tpu.memory_space<vmem>>
    %dma_start3A_477 = arith.constant 0 : i32
    %dma_start3A_478 = tpu.memref_slice %arg3[%add3A_470, %dma_start3A_477] : memref<16384x2048xf32, #tpu.memory_space<hbm>> -> memref<32x2048xf32, #tpu.memory_space<hbm>>
    %dma_start3A_479 = tpu.memref_slice %arg6[%dma_start3A_472] : memref<2x!tpu.dma_semaphore, #tpu.memory_space<semaphore_mem>> -> memref<1x!tpu.dma_semaphore, #tpu.memory_space<semaphore_mem>>
    %dma_start3A_480 = tpu.memref_squeeze %dma_start3A_479 : memref<1x!tpu.dma_semaphore, #tpu.memory_space<semaphore_mem>> -> memref<!tpu.dma_semaphore, #tpu.memory_space<semaphore_mem>>
    %dma_start3A_481 = arith.constant 0 : i32
    %dma_start3A_482 = tpu.memref_slice %arg3[%add3A_470, %dma_start3A_481] : memref<16384x2048xf32, #tpu.memory_space<hbm>> -> memref<32x2048xf32, #tpu.memory_space<hbm>>
    %dma_start3A_483 = arith.constant 0 : i32
    %dma_start3A_484 = arith.constant 0 : i32
    %dma_start3A_485 = tpu.memref_slice %arg4[%dma_start3A_471, %dma_start3A_483, %dma_start3A_484] : memref<2x32x2048xf32, #tpu.memory_space<vmem>> -> memref<1x32x2048xf32, #tpu.memory_space<vmem>>
    %dma_start3A_486 = tpu.memref_squeeze %dma_start3A_485 : memref<1x32x2048xf32, #tpu.memory_space<vmem>> -> memref<32x2048xf32, #tpu.memory_space<vmem>>
    tpu.enqueue_dma source(%dma_start3A_486 : memref<32x2048xf32, #tpu.memory_space<vmem>>) target(%dma_start3A_482 : memref<32x2048xf32, #tpu.memory_space<hbm>>) target_semaphore(%dma_start3A_480 : memref<!tpu.dma_semaphore, #tpu.memory_space<semaphore_mem>>)
    %add3A_487 = arith.constant 64 : i32
    %add3A_488 = arith.addi %mul3A_2, %add3A_487 : i32
    %add3A_489 = arith.constant 8192 : i32
    %add3A_490 = arith.addi %add3A_489, %add3A_488 : i32
    %dma_start3A_491 = arith.constant 0 : i32
    %dma_start3A_492 = arith.constant 0 : i32
    %dma_start3A_493 = arith.constant 0 : i32
    %dma_start3A_494 = arith.constant 0 : i32
    %dma_start3A_495 = tpu.memref_slice %arg4[%dma_start3A_491, %dma_start3A_493, %dma_start3A_494] : memref<2x32x2048xf32, #tpu.memory_space<vmem>> -> memref<1x32x2048xf32, #tpu.memory_space<vmem>>
    %dma_start3A_496 = tpu.memref_squeeze %dma_start3A_495 : memref<1x32x2048xf32, #tpu.memory_space<vmem>> -> memref<32x2048xf32, #tpu.memory_space<vmem>>
    %dma_start3A_497 = arith.constant 0 : i32
    %dma_start3A_498 = tpu.memref_slice %arg3[%add3A_490, %dma_start3A_497] : memref<16384x2048xf32, #tpu.memory_space<hbm>> -> memref<32x2048xf32, #tpu.memory_space<hbm>>
    %dma_start3A_499 = tpu.memref_slice %arg6[%dma_start3A_492] : memref<2x!tpu.dma_semaphore, #tpu.memory_space<semaphore_mem>> -> memref<1x!tpu.dma_semaphore, #tpu.memory_space<semaphore_mem>>
    %dma_start3A_500 = tpu.memref_squeeze %dma_start3A_499 : memref<1x!tpu.dma_semaphore, #tpu.memory_space<semaphore_mem>> -> memref<!tpu.dma_semaphore, #tpu.memory_space<semaphore_mem>>
    %dma_start3A_501 = arith.constant 0 : i32
    %dma_start3A_502 = tpu.memref_slice %arg3[%add3A_490, %dma_start3A_501] : memref<16384x2048xf32, #tpu.memory_space<hbm>> -> memref<32x2048xf32, #tpu.memory_space<hbm>>
    %dma_start3A_503 = arith.constant 0 : i32
    %dma_start3A_504 = arith.constant 0 : i32
    %dma_start3A_505 = tpu.memref_slice %arg4[%dma_start3A_491, %dma_start3A_503, %dma_start3A_504] : memref<2x32x2048xf32, #tpu.memory_space<vmem>> -> memref<1x32x2048xf32, #tpu.memory_space<vmem>>
    %dma_start3A_506 = tpu.memref_squeeze %dma_start3A_505 : memref<1x32x2048xf32, #tpu.memory_space<vmem>> -> memref<32x2048xf32, #tpu.memory_space<vmem>>
    tpu.enqueue_dma source(%dma_start3A_506 : memref<32x2048xf32, #tpu.memory_space<vmem>>) target(%dma_start3A_502 : memref<32x2048xf32, #tpu.memory_space<hbm>>) target_semaphore(%dma_start3A_500 : memref<!tpu.dma_semaphore, #tpu.memory_space<semaphore_mem>>)
    %add3A_507 = arith.constant 64 : i32
    %add3A_508 = arith.addi %mul3A_2, %add3A_507 : i32
    %add3A_509 = arith.constant 12288 : i32
    %add3A_510 = arith.addi %add3A_509, %add3A_508 : i32
    %dma_start3A_511 = arith.constant 0 : i32
    %dma_start3A_512 = arith.constant 0 : i32
    %dma_start3A_513 = arith.constant 0 : i32
    %dma_start3A_514 = arith.constant 0 : i32
    %dma_start3A_515 = tpu.memref_slice %arg4[%dma_start3A_511, %dma_start3A_513, %dma_start3A_514] : memref<2x32x2048xf32, #tpu.memory_space<vmem>> -> memref<1x32x2048xf32, #tpu.memory_space<vmem>>
    %dma_start3A_516 = tpu.memref_squeeze %dma_start3A_515 : memref<1x32x2048xf32, #tpu.memory_space<vmem>> -> memref<32x2048xf32, #tpu.memory_space<vmem>>
    %dma_start3A_517 = arith.constant 0 : i32
    %dma_start3A_518 = tpu.memref_slice %arg3[%add3A_510, %dma_start3A_517] : memref<16384x2048xf32, #tpu.memory_space<hbm>> -> memref<32x2048xf32, #tpu.memory_space<hbm>>
    %dma_start3A_519 = tpu.memref_slice %arg6[%dma_start3A_512] : memref<2x!tpu.dma_semaphore, #tpu.memory_space<semaphore_mem>> -> memref<1x!tpu.dma_semaphore, #tpu.memory_space<semaphore_mem>>
    %dma_start3A_520 = tpu.memref_squeeze %dma_start3A_519 : memref<1x!tpu.dma_semaphore, #tpu.memory_space<semaphore_mem>> -> memref<!tpu.dma_semaphore, #tpu.memory_space<semaphore_mem>>
    %dma_start3A_521 = arith.constant 0 : i32
    %dma_start3A_522 = tpu.memref_slice %arg3[%add3A_510, %dma_start3A_521] : memref<16384x2048xf32, #tpu.memory_space<hbm>> -> memref<32x2048xf32, #tpu.memory_space<hbm>>
    %dma_start3A_523 = arith.constant 0 : i32
    %dma_start3A_524 = arith.constant 0 : i32
    %dma_start3A_525 = tpu.memref_slice %arg4[%dma_start3A_511, %dma_start3A_523, %dma_start3A_524] : memref<2x32x2048xf32, #tpu.memory_space<vmem>> -> memref<1x32x2048xf32, #tpu.memory_space<vmem>>
    %dma_start3A_526 = tpu.memref_squeeze %dma_start3A_525 : memref<1x32x2048xf32, #tpu.memory_space<vmem>> -> memref<32x2048xf32, #tpu.memory_space<vmem>>
    tpu.enqueue_dma source(%dma_start3A_526 : memref<32x2048xf32, #tpu.memory_space<vmem>>) target(%dma_start3A_522 : memref<32x2048xf32, #tpu.memory_space<hbm>>) target_semaphore(%dma_start3A_520 : memref<!tpu.dma_semaphore, #tpu.memory_space<semaphore_mem>>)
    %add3A_527 = arith.constant 96 : i32
    %add3A_528 = arith.addi %mul3A_2, %add3A_527 : i32
    %dma_wait3A_529 = arith.constant 1 : i32
    %dma_wait3A_530 = arith.constant 1 : i32
    %dma_wait3A_531 = arith.constant 0 : i32
    %dma_wait3A_532 = arith.constant 0 : i32
    %dma_wait3A_533 = tpu.memref_slice %arg4[%dma_wait3A_529, %dma_wait3A_531, %dma_wait3A_532] : memref<2x32x2048xf32, #tpu.memory_space<vmem>> -> memref<1x32x2048xf32, #tpu.memory_space<vmem>>
    %dma_wait3A_534 = tpu.memref_squeeze %dma_wait3A_533 : memref<1x32x2048xf32, #tpu.memory_space<vmem>> -> memref<32x2048xf32, #tpu.memory_space<vmem>>
    %dma_wait3A_535 = arith.constant 0 : i32
    %dma_wait3A_536 = tpu.memref_slice %arg2[%add3A_528, %dma_wait3A_535] : memref<8192x2048xf32, #tpu.memory_space<hbm>> -> memref<32x2048xf32, #tpu.memory_space<hbm>>
    %dma_wait3A_537 = tpu.memref_slice %arg5[%dma_wait3A_530] : memref<2x!tpu.dma_semaphore, #tpu.memory_space<semaphore_mem>> -> memref<1x!tpu.dma_semaphore, #tpu.memory_space<semaphore_mem>>
    %dma_wait3A_538 = tpu.memref_squeeze %dma_wait3A_537 : memref<1x!tpu.dma_semaphore, #tpu.memory_space<semaphore_mem>> -> memref<!tpu.dma_semaphore, #tpu.memory_space<semaphore_mem>>
    %dma_wait3A_539 = arith.constant 0 : i32
    %dma_wait3A_540 = arith.constant 0 : i32
    %dma_wait3A_541 = tpu.memref_slice %arg4[%dma_wait3A_529, %dma_wait3A_539, %dma_wait3A_540] : memref<2x32x2048xf32, #tpu.memory_space<vmem>> -> memref<1x32x2048xf32, #tpu.memory_space<vmem>>
    %dma_wait3A_542 = tpu.memref_squeeze %dma_wait3A_541 : memref<1x32x2048xf32, #tpu.memory_space<vmem>> -> memref<32x2048xf32, #tpu.memory_space<vmem>>
    %dma_wait3A_543 = arith.constant 0 : i32
    %dma_wait3A_544 = tpu.memref_slice %arg2[%add3A_528, %dma_wait3A_543] : memref<8192x2048xf32, #tpu.memory_space<hbm>> -> memref<32x2048xf32, #tpu.memory_space<hbm>>
    tpu.wait_dma2 semaphore(%dma_wait3A_538 : memref<!tpu.dma_semaphore, #tpu.memory_space<semaphore_mem>>) src(%dma_wait3A_544 : memref<32x2048xf32, #tpu.memory_space<hbm>>) dst(%dma_wait3A_542 : memref<32x2048xf32, #tpu.memory_space<vmem>>)
    %add3A_545 = arith.constant 96 : i32
    %add3A_546 = arith.addi %mul3A_2, %add3A_545 : i32
    %add3A_547 = arith.constant 0 : i32
    %add3A_548 = arith.addi %add3A_547, %add3A_546 : i32
    %dma_start3A_549 = arith.constant 1 : i32
    %dma_start3A_550 = arith.constant 1 : i32
    %dma_start3A_551 = arith.constant 0 : i32
    %dma_start3A_552 = arith.constant 0 : i32
    %dma_start3A_553 = tpu.memref_slice %arg4[%dma_start3A_549, %dma_start3A_551, %dma_start3A_552] : memref<2x32x2048xf32, #tpu.memory_space<vmem>> -> memref<1x32x2048xf32, #tpu.memory_space<vmem>>
    %dma_start3A_554 = tpu.memref_squeeze %dma_start3A_553 : memref<1x32x2048xf32, #tpu.memory_space<vmem>> -> memref<32x2048xf32, #tpu.memory_space<vmem>>
    %dma_start3A_555 = arith.constant 0 : i32
    %dma_start3A_556 = tpu.memref_slice %arg3[%add3A_548, %dma_start3A_555] : memref<16384x2048xf32, #tpu.memory_space<hbm>> -> memref<32x2048xf32, #tpu.memory_space<hbm>>
    %dma_start3A_557 = tpu.memref_slice %arg6[%dma_start3A_550] : memref<2x!tpu.dma_semaphore, #tpu.memory_space<semaphore_mem>> -> memref<1x!tpu.dma_semaphore, #tpu.memory_space<semaphore_mem>>
    %dma_start3A_558 = tpu.memref_squeeze %dma_start3A_557 : memref<1x!tpu.dma_semaphore, #tpu.memory_space<semaphore_mem>> -> memref<!tpu.dma_semaphore, #tpu.memory_space<semaphore_mem>>
    %dma_start3A_559 = arith.constant 0 : i32
    %dma_start3A_560 = tpu.memref_slice %arg3[%add3A_548, %dma_start3A_559] : memref<16384x2048xf32, #tpu.memory_space<hbm>> -> memref<32x2048xf32, #tpu.memory_space<hbm>>
    %dma_start3A_561 = arith.constant 0 : i32
    %dma_start3A_562 = arith.constant 0 : i32
    %dma_start3A_563 = tpu.memref_slice %arg4[%dma_start3A_549, %dma_start3A_561, %dma_start3A_562] : memref<2x32x2048xf32, #tpu.memory_space<vmem>> -> memref<1x32x2048xf32, #tpu.memory_space<vmem>>
    %dma_start3A_564 = tpu.memref_squeeze %dma_start3A_563 : memref<1x32x2048xf32, #tpu.memory_space<vmem>> -> memref<32x2048xf32, #tpu.memory_space<vmem>>
    tpu.enqueue_dma source(%dma_start3A_564 : memref<32x2048xf32, #tpu.memory_space<vmem>>) target(%dma_start3A_560 : memref<32x2048xf32, #tpu.memory_space<hbm>>) target_semaphore(%dma_start3A_558 : memref<!tpu.dma_semaphore, #tpu.memory_space<semaphore_mem>>)
    %add3A_565 = arith.constant 96 : i32
    %add3A_566 = arith.addi %mul3A_2, %add3A_565 : i32
    %add3A_567 = arith.constant 4096 : i32
    %add3A_568 = arith.addi %add3A_567, %add3A_566 : i32
    %dma_start3A_569 = arith.constant 1 : i32
    %dma_start3A_570 = arith.constant 1 : i32
    %dma_start3A_571 = arith.constant 0 : i32
    %dma_start3A_572 = arith.constant 0 : i32
    %dma_start3A_573 = tpu.memref_slice %arg4[%dma_start3A_569, %dma_start3A_571, %dma_start3A_572] : memref<2x32x2048xf32, #tpu.memory_space<vmem>> -> memref<1x32x2048xf32, #tpu.memory_space<vmem>>
    %dma_start3A_574 = tpu.memref_squeeze %dma_start3A_573 : memref<1x32x2048xf32, #tpu.memory_space<vmem>> -> memref<32x2048xf32, #tpu.memory_space<vmem>>
    %dma_start3A_575 = arith.constant 0 : i32
    %dma_start3A_576 = tpu.memref_slice %arg3[%add3A_568, %dma_start3A_575] : memref<16384x2048xf32, #tpu.memory_space<hbm>> -> memref<32x2048xf32, #tpu.memory_space<hbm>>
    %dma_start3A_577 = tpu.memref_slice %arg6[%dma_start3A_570] : memref<2x!tpu.dma_semaphore, #tpu.memory_space<semaphore_mem>> -> memref<1x!tpu.dma_semaphore, #tpu.memory_space<semaphore_mem>>
    %dma_start3A_578 = tpu.memref_squeeze %dma_start3A_577 : memref<1x!tpu.dma_semaphore, #tpu.memory_space<semaphore_mem>> -> memref<!tpu.dma_semaphore, #tpu.memory_space<semaphore_mem>>
    %dma_start3A_579 = arith.constant 0 : i32
    %dma_start3A_580 = tpu.memref_slice %arg3[%add3A_568, %dma_start3A_579] : memref<16384x2048xf32, #tpu.memory_space<hbm>> -> memref<32x2048xf32, #tpu.memory_space<hbm>>
    %dma_start3A_581 = arith.constant 0 : i32
    %dma_start3A_582 = arith.constant 0 : i32
    %dma_start3A_583 = tpu.memref_slice %arg4[%dma_start3A_569, %dma_start3A_581, %dma_start3A_582] : memref<2x32x2048xf32, #tpu.memory_space<vmem>> -> memref<1x32x2048xf32, #tpu.memory_space<vmem>>
    %dma_start3A_584 = tpu.memref_squeeze %dma_start3A_583 : memref<1x32x2048xf32, #tpu.memory_space<vmem>> -> memref<32x2048xf32, #tpu.memory_space<vmem>>
    tpu.enqueue_dma source(%dma_start3A_584 : memref<32x2048xf32, #tpu.memory_space<vmem>>) target(%dma_start3A_580 : memref<32x2048xf32, #tpu.memory_space<hbm>>) target_semaphore(%dma_start3A_578 : memref<!tpu.dma_semaphore, #tpu.memory_space<semaphore_mem>>)
    %add3A_585 = arith.constant 96 : i32
    %add3A_586 = arith.addi %mul3A_2, %add3A_585 : i32
    %add3A_587 = arith.constant 8192 : i32
    %add3A_588 = arith.addi %add3A_587, %add3A_586 : i32
    %dma_start3A_589 = arith.constant 1 : i32
    %dma_start3A_590 = arith.constant 1 : i32
    %dma_start3A_591 = arith.constant 0 : i32
    %dma_start3A_592 = arith.constant 0 : i32
    %dma_start3A_593 = tpu.memref_slice %arg4[%dma_start3A_589, %dma_start3A_591, %dma_start3A_592] : memref<2x32x2048xf32, #tpu.memory_space<vmem>> -> memref<1x32x2048xf32, #tpu.memory_space<vmem>>
    %dma_start3A_594 = tpu.memref_squeeze %dma_start3A_593 : memref<1x32x2048xf32, #tpu.memory_space<vmem>> -> memref<32x2048xf32, #tpu.memory_space<vmem>>
    %dma_start3A_595 = arith.constant 0 : i32
    %dma_start3A_596 = tpu.memref_slice %arg3[%add3A_588, %dma_start3A_595] : memref<16384x2048xf32, #tpu.memory_space<hbm>> -> memref<32x2048xf32, #tpu.memory_space<hbm>>
    %dma_start3A_597 = tpu.memref_slice %arg6[%dma_start3A_590] : memref<2x!tpu.dma_semaphore, #tpu.memory_space<semaphore_mem>> -> memref<1x!tpu.dma_semaphore, #tpu.memory_space<semaphore_mem>>
    %dma_start3A_598 = tpu.memref_squeeze %dma_start3A_597 : memref<1x!tpu.dma_semaphore, #tpu.memory_space<semaphore_mem>> -> memref<!tpu.dma_semaphore, #tpu.memory_space<semaphore_mem>>
    %dma_start3A_599 = arith.constant 0 : i32
    %dma_start3A_600 = tpu.memref_slice %arg3[%add3A_588, %dma_start3A_599] : memref<16384x2048xf32, #tpu.memory_space<hbm>> -> memref<32x2048xf32, #tpu.memory_space<hbm>>
    %dma_start3A_601 = arith.constant 0 : i32
    %dma_start3A_602 = arith.constant 0 : i32
    %dma_start3A_603 = tpu.memref_slice %arg4[%dma_start3A_589, %dma_start3A_601, %dma_start3A_602] : memref<2x32x2048xf32, #tpu.memory_space<vmem>> -> memref<1x32x2048xf32, #tpu.memory_space<vmem>>
    %dma_start3A_604 = tpu.memref_squeeze %dma_start3A_603 : memref<1x32x2048xf32, #tpu.memory_space<vmem>> -> memref<32x2048xf32, #tpu.memory_space<vmem>>
    tpu.enqueue_dma source(%dma_start3A_604 : memref<32x2048xf32, #tpu.memory_space<vmem>>) target(%dma_start3A_600 : memref<32x2048xf32, #tpu.memory_space<hbm>>) target_semaphore(%dma_start3A_598 : memref<!tpu.dma_semaphore, #tpu.memory_space<semaphore_mem>>)
    %add3A_605 = arith.constant 96 : i32
    %add3A_606 = arith.addi %mul3A_2, %add3A_605 : i32
    %add3A_607 = arith.constant 12288 : i32
    %add3A_608 = arith.addi %add3A_607, %add3A_606 : i32
    %dma_start3A_609 = arith.constant 1 : i32
    %dma_start3A_610 = arith.constant 1 : i32
    %dma_start3A_611 = arith.constant 0 : i32
    %dma_start3A_612 = arith.constant 0 : i32
    %dma_start3A_613 = tpu.memref_slice %arg4[%dma_start3A_609, %dma_start3A_611, %dma_start3A_612] : memref<2x32x2048xf32, #tpu.memory_space<vmem>> -> memref<1x32x2048xf32, #tpu.memory_space<vmem>>
    %dma_start3A_614 = tpu.memref_squeeze %dma_start3A_613 : memref<1x32x2048xf32, #tpu.memory_space<vmem>> -> memref<32x2048xf32, #tpu.memory_space<vmem>>
    %dma_start3A_615 = arith.constant 0 : i32
    %dma_start3A_616 = tpu.memref_slice %arg3[%add3A_608, %dma_start3A_615] : memref<16384x2048xf32, #tpu.memory_space<hbm>> -> memref<32x2048xf32, #tpu.memory_space<hbm>>
    %dma_start3A_617 = tpu.memref_slice %arg6[%dma_start3A_610] : memref<2x!tpu.dma_semaphore, #tpu.memory_space<semaphore_mem>> -> memref<1x!tpu.dma_semaphore, #tpu.memory_space<semaphore_mem>>
    %dma_start3A_618 = tpu.memref_squeeze %dma_start3A_617 : memref<1x!tpu.dma_semaphore, #tpu.memory_space<semaphore_mem>> -> memref<!tpu.dma_semaphore, #tpu.memory_space<semaphore_mem>>
    %dma_start3A_619 = arith.constant 0 : i32
    %dma_start3A_620 = tpu.memref_slice %arg3[%add3A_608, %dma_start3A_619] : memref<16384x2048xf32, #tpu.memory_space<hbm>> -> memref<32x2048xf32, #tpu.memory_space<hbm>>
    %dma_start3A_621 = arith.constant 0 : i32
    %dma_start3A_622 = arith.constant 0 : i32
    %dma_start3A_623 = tpu.memref_slice %arg4[%dma_start3A_609, %dma_start3A_621, %dma_start3A_622] : memref<2x32x2048xf32, #tpu.memory_space<vmem>> -> memref<1x32x2048xf32, #tpu.memory_space<vmem>>
    %dma_start3A_624 = tpu.memref_squeeze %dma_start3A_623 : memref<1x32x2048xf32, #tpu.memory_space<vmem>> -> memref<32x2048xf32, #tpu.memory_space<vmem>>
    tpu.enqueue_dma source(%dma_start3A_624 : memref<32x2048xf32, #tpu.memory_space<vmem>>) target(%dma_start3A_620 : memref<32x2048xf32, #tpu.memory_space<hbm>>) target_semaphore(%dma_start3A_618 : memref<!tpu.dma_semaphore, #tpu.memory_space<semaphore_mem>>)
    %add3A_625 = arith.constant 64 : i32
    %add3A_626 = arith.addi %mul3A_2, %add3A_625 : i32
    %add3A_627 = arith.constant 0 : i32
    %add3A_628 = arith.addi %add3A_627, %add3A_626 : i32
    %dma_wait3A_629 = arith.constant 0 : i32
    %dma_wait3A_630 = arith.constant 0 : i32
    %dma_wait3A_631 = arith.constant 0 : i32
    %dma_wait3A_632 = arith.constant 0 : i32
    %dma_wait3A_633 = tpu.memref_slice %arg4[%dma_wait3A_629, %dma_wait3A_631, %dma_wait3A_632] : memref<2x32x2048xf32, #tpu.memory_space<vmem>> -> memref<1x32x2048xf32, #tpu.memory_space<vmem>>
    %dma_wait3A_634 = tpu.memref_squeeze %dma_wait3A_633 : memref<1x32x2048xf32, #tpu.memory_space<vmem>> -> memref<32x2048xf32, #tpu.memory_space<vmem>>
    %dma_wait3A_635 = arith.constant 0 : i32
    %dma_wait3A_636 = tpu.memref_slice %arg3[%add3A_628, %dma_wait3A_635] : memref<16384x2048xf32, #tpu.memory_space<hbm>> -> memref<32x2048xf32, #tpu.memory_space<hbm>>
    %dma_wait3A_637 = tpu.memref_slice %arg6[%dma_wait3A_630] : memref<2x!tpu.dma_semaphore, #tpu.memory_space<semaphore_mem>> -> memref<1x!tpu.dma_semaphore, #tpu.memory_space<semaphore_mem>>
    %dma_wait3A_638 = tpu.memref_squeeze %dma_wait3A_637 : memref<1x!tpu.dma_semaphore, #tpu.memory_space<semaphore_mem>> -> memref<!tpu.dma_semaphore, #tpu.memory_space<semaphore_mem>>
    %dma_wait3A_639 = arith.constant 0 : i32
    %dma_wait3A_640 = tpu.memref_slice %arg3[%add3A_628, %dma_wait3A_639] : memref<16384x2048xf32, #tpu.memory_space<hbm>> -> memref<32x2048xf32, #tpu.memory_space<hbm>>
    %dma_wait3A_641 = arith.constant 0 : i32
    %dma_wait3A_642 = arith.constant 0 : i32
    %dma_wait3A_643 = tpu.memref_slice %arg4[%dma_wait3A_629, %dma_wait3A_641, %dma_wait3A_642] : memref<2x32x2048xf32, #tpu.memory_space<vmem>> -> memref<1x32x2048xf32, #tpu.memory_space<vmem>>
    %dma_wait3A_644 = tpu.memref_squeeze %dma_wait3A_643 : memref<1x32x2048xf32, #tpu.memory_space<vmem>> -> memref<32x2048xf32, #tpu.memory_space<vmem>>
    tpu.wait_dma2 semaphore(%dma_wait3A_638 : memref<!tpu.dma_semaphore, #tpu.memory_space<semaphore_mem>>) src(%dma_wait3A_644 : memref<32x2048xf32, #tpu.memory_space<vmem>>) dst(%dma_wait3A_640 : memref<32x2048xf32, #tpu.memory_space<hbm>>)
    %add3A_645 = arith.constant 64 : i32
    %add3A_646 = arith.addi %mul3A_2, %add3A_645 : i32
    %add3A_647 = arith.constant 4096 : i32
    %add3A_648 = arith.addi %add3A_647, %add3A_646 : i32
    %dma_wait3A_649 = arith.constant 0 : i32
    %dma_wait3A_650 = arith.constant 0 : i32
    %dma_wait3A_651 = arith.constant 0 : i32
    %dma_wait3A_652 = arith.constant 0 : i32
    %dma_wait3A_653 = tpu.memref_slice %arg4[%dma_wait3A_649, %dma_wait3A_651, %dma_wait3A_652] : memref<2x32x2048xf32, #tpu.memory_space<vmem>> -> memref<1x32x2048xf32, #tpu.memory_space<vmem>>
    %dma_wait3A_654 = tpu.memref_squeeze %dma_wait3A_653 : memref<1x32x2048xf32, #tpu.memory_space<vmem>> -> memref<32x2048xf32, #tpu.memory_space<vmem>>
    %dma_wait3A_655 = arith.constant 0 : i32
    %dma_wait3A_656 = tpu.memref_slice %arg3[%add3A_648, %dma_wait3A_655] : memref<16384x2048xf32, #tpu.memory_space<hbm>> -> memref<32x2048xf32, #tpu.memory_space<hbm>>
    %dma_wait3A_657 = tpu.memref_slice %arg6[%dma_wait3A_650] : memref<2x!tpu.dma_semaphore, #tpu.memory_space<semaphore_mem>> -> memref<1x!tpu.dma_semaphore, #tpu.memory_space<semaphore_mem>>
    %dma_wait3A_658 = tpu.memref_squeeze %dma_wait3A_657 : memref<1x!tpu.dma_semaphore, #tpu.memory_space<semaphore_mem>> -> memref<!tpu.dma_semaphore, #tpu.memory_space<semaphore_mem>>
    %dma_wait3A_659 = arith.constant 0 : i32
    %dma_wait3A_660 = tpu.memref_slice %arg3[%add3A_648, %dma_wait3A_659] : memref<16384x2048xf32, #tpu.memory_space<hbm>> -> memref<32x2048xf32, #tpu.memory_space<hbm>>
    %dma_wait3A_661 = arith.constant 0 : i32
    %dma_wait3A_662 = arith.constant 0 : i32
    %dma_wait3A_663 = tpu.memref_slice %arg4[%dma_wait3A_649, %dma_wait3A_661, %dma_wait3A_662] : memref<2x32x2048xf32, #tpu.memory_space<vmem>> -> memref<1x32x2048xf32, #tpu.memory_space<vmem>>
    %dma_wait3A_664 = tpu.memref_squeeze %dma_wait3A_663 : memref<1x32x2048xf32, #tpu.memory_space<vmem>> -> memref<32x2048xf32, #tpu.memory_space<vmem>>
    tpu.wait_dma2 semaphore(%dma_wait3A_658 : memref<!tpu.dma_semaphore, #tpu.memory_space<semaphore_mem>>) src(%dma_wait3A_664 : memref<32x2048xf32, #tpu.memory_space<vmem>>) dst(%dma_wait3A_660 : memref<32x2048xf32, #tpu.memory_space<hbm>>)
    %add3A_665 = arith.constant 64 : i32
    %add3A_666 = arith.addi %mul3A_2, %add3A_665 : i32
    %add3A_667 = arith.constant 8192 : i32
    %add3A_668 = arith.addi %add3A_667, %add3A_666 : i32
    %dma_wait3A_669 = arith.constant 0 : i32
    %dma_wait3A_670 = arith.constant 0 : i32
    %dma_wait3A_671 = arith.constant 0 : i32
    %dma_wait3A_672 = arith.constant 0 : i32
    %dma_wait3A_673 = tpu.memref_slice %arg4[%dma_wait3A_669, %dma_wait3A_671, %dma_wait3A_672] : memref<2x32x2048xf32, #tpu.memory_space<vmem>> -> memref<1x32x2048xf32, #tpu.memory_space<vmem>>
    %dma_wait3A_674 = tpu.memref_squeeze %dma_wait3A_673 : memref<1x32x2048xf32, #tpu.memory_space<vmem>> -> memref<32x2048xf32, #tpu.memory_space<vmem>>
    %dma_wait3A_675 = arith.constant 0 : i32
    %dma_wait3A_676 = tpu.memref_slice %arg3[%add3A_668, %dma_wait3A_675] : memref<16384x2048xf32, #tpu.memory_space<hbm>> -> memref<32x2048xf32, #tpu.memory_space<hbm>>
    %dma_wait3A_677 = tpu.memref_slice %arg6[%dma_wait3A_670] : memref<2x!tpu.dma_semaphore, #tpu.memory_space<semaphore_mem>> -> memref<1x!tpu.dma_semaphore, #tpu.memory_space<semaphore_mem>>
    %dma_wait3A_678 = tpu.memref_squeeze %dma_wait3A_677 : memref<1x!tpu.dma_semaphore, #tpu.memory_space<semaphore_mem>> -> memref<!tpu.dma_semaphore, #tpu.memory_space<semaphore_mem>>
    %dma_wait3A_679 = arith.constant 0 : i32
    %dma_wait3A_680 = tpu.memref_slice %arg3[%add3A_668, %dma_wait3A_679] : memref<16384x2048xf32, #tpu.memory_space<hbm>> -> memref<32x2048xf32, #tpu.memory_space<hbm>>
    %dma_wait3A_681 = arith.constant 0 : i32
    %dma_wait3A_682 = arith.constant 0 : i32
    %dma_wait3A_683 = tpu.memref_slice %arg4[%dma_wait3A_669, %dma_wait3A_681, %dma_wait3A_682] : memref<2x32x2048xf32, #tpu.memory_space<vmem>> -> memref<1x32x2048xf32, #tpu.memory_space<vmem>>
    %dma_wait3A_684 = tpu.memref_squeeze %dma_wait3A_683 : memref<1x32x2048xf32, #tpu.memory_space<vmem>> -> memref<32x2048xf32, #tpu.memory_space<vmem>>
    tpu.wait_dma2 semaphore(%dma_wait3A_678 : memref<!tpu.dma_semaphore, #tpu.memory_space<semaphore_mem>>) src(%dma_wait3A_684 : memref<32x2048xf32, #tpu.memory_space<vmem>>) dst(%dma_wait3A_680 : memref<32x2048xf32, #tpu.memory_space<hbm>>)
    %add3A_685 = arith.constant 64 : i32
    %add3A_686 = arith.addi %mul3A_2, %add3A_685 : i32
    %add3A_687 = arith.constant 12288 : i32
    %add3A_688 = arith.addi %add3A_687, %add3A_686 : i32
    %dma_wait3A_689 = arith.constant 0 : i32
    %dma_wait3A_690 = arith.constant 0 : i32
    %dma_wait3A_691 = arith.constant 0 : i32
    %dma_wait3A_692 = arith.constant 0 : i32
    %dma_wait3A_693 = tpu.memref_slice %arg4[%dma_wait3A_689, %dma_wait3A_691, %dma_wait3A_692] : memref<2x32x2048xf32, #tpu.memory_space<vmem>> -> memref<1x32x2048xf32, #tpu.memory_space<vmem>>
    %dma_wait3A_694 = tpu.memref_squeeze %dma_wait3A_693 : memref<1x32x2048xf32, #tpu.memory_space<vmem>> -> memref<32x2048xf32, #tpu.memory_space<vmem>>
    %dma_wait3A_695 = arith.constant 0 : i32
    %dma_wait3A_696 = tpu.memref_slice %arg3[%add3A_688, %dma_wait3A_695] : memref<16384x2048xf32, #tpu.memory_space<hbm>> -> memref<32x2048xf32, #tpu.memory_space<hbm>>
    %dma_wait3A_697 = tpu.memref_slice %arg6[%dma_wait3A_690] : memref<2x!tpu.dma_semaphore, #tpu.memory_space<semaphore_mem>> -> memref<1x!tpu.dma_semaphore, #tpu.memory_space<semaphore_mem>>
    %dma_wait3A_698 = tpu.memref_squeeze %dma_wait3A_697 : memref<1x!tpu.dma_semaphore, #tpu.memory_space<semaphore_mem>> -> memref<!tpu.dma_semaphore, #tpu.memory_space<semaphore_mem>>
    %dma_wait3A_699 = arith.constant 0 : i32
    %dma_wait3A_700 = tpu.memref_slice %arg3[%add3A_688, %dma_wait3A_699] : memref<16384x2048xf32, #tpu.memory_space<hbm>> -> memref<32x2048xf32, #tpu.memory_space<hbm>>
    %dma_wait3A_701 = arith.constant 0 : i32
    %dma_wait3A_702 = arith.constant 0 : i32
    %dma_wait3A_703 = tpu.memref_slice %arg4[%dma_wait3A_689, %dma_wait3A_701, %dma_wait3A_702] : memref<2x32x2048xf32, #tpu.memory_space<vmem>> -> memref<1x32x2048xf32, #tpu.memory_space<vmem>>
    %dma_wait3A_704 = tpu.memref_squeeze %dma_wait3A_703 : memref<1x32x2048xf32, #tpu.memory_space<vmem>> -> memref<32x2048xf32, #tpu.memory_space<vmem>>
    tpu.wait_dma2 semaphore(%dma_wait3A_698 : memref<!tpu.dma_semaphore, #tpu.memory_space<semaphore_mem>>) src(%dma_wait3A_704 : memref<32x2048xf32, #tpu.memory_space<vmem>>) dst(%dma_wait3A_700 : memref<32x2048xf32, #tpu.memory_space<hbm>>)
    %add3A_705 = arith.constant 96 : i32
    %add3A_706 = arith.addi %mul3A_2, %add3A_705 : i32
    %add3A_707 = arith.constant 0 : i32
    %add3A_708 = arith.addi %add3A_707, %add3A_706 : i32
    %dma_wait3A_709 = arith.constant 1 : i32
    %dma_wait3A_710 = arith.constant 1 : i32
    %dma_wait3A_711 = arith.constant 0 : i32
    %dma_wait3A_712 = arith.constant 0 : i32
    %dma_wait3A_713 = tpu.memref_slice %arg4[%dma_wait3A_709, %dma_wait3A_711, %dma_wait3A_712] : memref<2x32x2048xf32, #tpu.memory_space<vmem>> -> memref<1x32x2048xf32, #tpu.memory_space<vmem>>
    %dma_wait3A_714 = tpu.memref_squeeze %dma_wait3A_713 : memref<1x32x2048xf32, #tpu.memory_space<vmem>> -> memref<32x2048xf32, #tpu.memory_space<vmem>>
    %dma_wait3A_715 = arith.constant 0 : i32
    %dma_wait3A_716 = tpu.memref_slice %arg3[%add3A_708, %dma_wait3A_715] : memref<16384x2048xf32, #tpu.memory_space<hbm>> -> memref<32x2048xf32, #tpu.memory_space<hbm>>
    %dma_wait3A_717 = tpu.memref_slice %arg6[%dma_wait3A_710] : memref<2x!tpu.dma_semaphore, #tpu.memory_space<semaphore_mem>> -> memref<1x!tpu.dma_semaphore, #tpu.memory_space<semaphore_mem>>
    %dma_wait3A_718 = tpu.memref_squeeze %dma_wait3A_717 : memref<1x!tpu.dma_semaphore, #tpu.memory_space<semaphore_mem>> -> memref<!tpu.dma_semaphore, #tpu.memory_space<semaphore_mem>>
    %dma_wait3A_719 = arith.constant 0 : i32
    %dma_wait3A_720 = tpu.memref_slice %arg3[%add3A_708, %dma_wait3A_719] : memref<16384x2048xf32, #tpu.memory_space<hbm>> -> memref<32x2048xf32, #tpu.memory_space<hbm>>
    %dma_wait3A_721 = arith.constant 0 : i32
    %dma_wait3A_722 = arith.constant 0 : i32
    %dma_wait3A_723 = tpu.memref_slice %arg4[%dma_wait3A_709, %dma_wait3A_721, %dma_wait3A_722] : memref<2x32x2048xf32, #tpu.memory_space<vmem>> -> memref<1x32x2048xf32, #tpu.memory_space<vmem>>
    %dma_wait3A_724 = tpu.memref_squeeze %dma_wait3A_723 : memref<1x32x2048xf32, #tpu.memory_space<vmem>> -> memref<32x2048xf32, #tpu.memory_space<vmem>>
    tpu.wait_dma2 semaphore(%dma_wait3A_718 : memref<!tpu.dma_semaphore, #tpu.memory_space<semaphore_mem>>) src(%dma_wait3A_724 : memref<32x2048xf32, #tpu.memory_space<vmem>>) dst(%dma_wait3A_720 : memref<32x2048xf32, #tpu.memory_space<hbm>>)
    %add3A_725 = arith.constant 96 : i32
    %add3A_726 = arith.addi %mul3A_2, %add3A_725 : i32
    %add3A_727 = arith.constant 4096 : i32
    %add3A_728 = arith.addi %add3A_727, %add3A_726 : i32
    %dma_wait3A_729 = arith.constant 1 : i32
    %dma_wait3A_730 = arith.constant 1 : i32
    %dma_wait3A_731 = arith.constant 0 : i32
    %dma_wait3A_732 = arith.constant 0 : i32
    %dma_wait3A_733 = tpu.memref_slice %arg4[%dma_wait3A_729, %dma_wait3A_731, %dma_wait3A_732] : memref<2x32x2048xf32, #tpu.memory_space<vmem>> -> memref<1x32x2048xf32, #tpu.memory_space<vmem>>
    %dma_wait3A_734 = tpu.memref_squeeze %dma_wait3A_733 : memref<1x32x2048xf32, #tpu.memory_space<vmem>> -> memref<32x2048xf32, #tpu.memory_space<vmem>>
    %dma_wait3A_735 = arith.constant 0 : i32
    %dma_wait3A_736 = tpu.memref_slice %arg3[%add3A_728, %dma_wait3A_735] : memref<16384x2048xf32, #tpu.memory_space<hbm>> -> memref<32x2048xf32, #tpu.memory_space<hbm>>
    %dma_wait3A_737 = tpu.memref_slice %arg6[%dma_wait3A_730] : memref<2x!tpu.dma_semaphore, #tpu.memory_space<semaphore_mem>> -> memref<1x!tpu.dma_semaphore, #tpu.memory_space<semaphore_mem>>
    %dma_wait3A_738 = tpu.memref_squeeze %dma_wait3A_737 : memref<1x!tpu.dma_semaphore, #tpu.memory_space<semaphore_mem>> -> memref<!tpu.dma_semaphore, #tpu.memory_space<semaphore_mem>>
    %dma_wait3A_739 = arith.constant 0 : i32
    %dma_wait3A_740 = tpu.memref_slice %arg3[%add3A_728, %dma_wait3A_739] : memref<16384x2048xf32, #tpu.memory_space<hbm>> -> memref<32x2048xf32, #tpu.memory_space<hbm>>
    %dma_wait3A_741 = arith.constant 0 : i32
    %dma_wait3A_742 = arith.constant 0 : i32
    %dma_wait3A_743 = tpu.memref_slice %arg4[%dma_wait3A_729, %dma_wait3A_741, %dma_wait3A_742] : memref<2x32x2048xf32, #tpu.memory_space<vmem>> -> memref<1x32x2048xf32, #tpu.memory_space<vmem>>
    %dma_wait3A_744 = tpu.memref_squeeze %dma_wait3A_743 : memref<1x32x2048xf32, #tpu.memory_space<vmem>> -> memref<32x2048xf32, #tpu.memory_space<vmem>>
    tpu.wait_dma2 semaphore(%dma_wait3A_738 : memref<!tpu.dma_semaphore, #tpu.memory_space<semaphore_mem>>) src(%dma_wait3A_744 : memref<32x2048xf32, #tpu.memory_space<vmem>>) dst(%dma_wait3A_740 : memref<32x2048xf32, #tpu.memory_space<hbm>>)
    %add3A_745 = arith.constant 96 : i32
    %add3A_746 = arith.addi %mul3A_2, %add3A_745 : i32
    %add3A_747 = arith.constant 8192 : i32
    %add3A_748 = arith.addi %add3A_747, %add3A_746 : i32
    %dma_wait3A_749 = arith.constant 1 : i32
    %dma_wait3A_750 = arith.constant 1 : i32
    %dma_wait3A_751 = arith.constant 0 : i32
    %dma_wait3A_752 = arith.constant 0 : i32
    %dma_wait3A_753 = tpu.memref_slice %arg4[%dma_wait3A_749, %dma_wait3A_751, %dma_wait3A_752] : memref<2x32x2048xf32, #tpu.memory_space<vmem>> -> memref<1x32x2048xf32, #tpu.memory_space<vmem>>
    %dma_wait3A_754 = tpu.memref_squeeze %dma_wait3A_753 : memref<1x32x2048xf32, #tpu.memory_space<vmem>> -> memref<32x2048xf32, #tpu.memory_space<vmem>>
    %dma_wait3A_755 = arith.constant 0 : i32
    %dma_wait3A_756 = tpu.memref_slice %arg3[%add3A_748, %dma_wait3A_755] : memref<16384x2048xf32, #tpu.memory_space<hbm>> -> memref<32x2048xf32, #tpu.memory_space<hbm>>
    %dma_wait3A_757 = tpu.memref_slice %arg6[%dma_wait3A_750] : memref<2x!tpu.dma_semaphore, #tpu.memory_space<semaphore_mem>> -> memref<1x!tpu.dma_semaphore, #tpu.memory_space<semaphore_mem>>
    %dma_wait3A_758 = tpu.memref_squeeze %dma_wait3A_757 : memref<1x!tpu.dma_semaphore, #tpu.memory_space<semaphore_mem>> -> memref<!tpu.dma_semaphore, #tpu.memory_space<semaphore_mem>>
    %dma_wait3A_759 = arith.constant 0 : i32
    %dma_wait3A_760 = tpu.memref_slice %arg3[%add3A_748, %dma_wait3A_759] : memref<16384x2048xf32, #tpu.memory_space<hbm>> -> memref<32x2048xf32, #tpu.memory_space<hbm>>
    %dma_wait3A_761 = arith.constant 0 : i32
    %dma_wait3A_762 = arith.constant 0 : i32
    %dma_wait3A_763 = tpu.memref_slice %arg4[%dma_wait3A_749, %dma_wait3A_761, %dma_wait3A_762] : memref<2x32x2048xf32, #tpu.memory_space<vmem>> -> memref<1x32x2048xf32, #tpu.memory_space<vmem>>
    %dma_wait3A_764 = tpu.memref_squeeze %dma_wait3A_763 : memref<1x32x2048xf32, #tpu.memory_space<vmem>> -> memref<32x2048xf32, #tpu.memory_space<vmem>>
    tpu.wait_dma2 semaphore(%dma_wait3A_758 : memref<!tpu.dma_semaphore, #tpu.memory_space<semaphore_mem>>) src(%dma_wait3A_764 : memref<32x2048xf32, #tpu.memory_space<vmem>>) dst(%dma_wait3A_760 : memref<32x2048xf32, #tpu.memory_space<hbm>>)
    %add3A_765 = arith.constant 96 : i32
    %add3A_766 = arith.addi %mul3A_2, %add3A_765 : i32
    %add3A_767 = arith.constant 12288 : i32
    %add3A_768 = arith.addi %add3A_767, %add3A_766 : i32
    %dma_wait3A_769 = arith.constant 1 : i32
    %dma_wait3A_770 = arith.constant 1 : i32
    %dma_wait3A_771 = arith.constant 0 : i32
    %dma_wait3A_772 = arith.constant 0 : i32
    %dma_wait3A_773 = tpu.memref_slice %arg4[%dma_wait3A_769, %dma_wait3A_771, %dma_wait3A_772] : memref<2x32x2048xf32, #tpu.memory_space<vmem>> -> memref<1x32x2048xf32, #tpu.memory_space<vmem>>
    %dma_wait3A_774 = tpu.memref_squeeze %dma_wait3A_773 : memref<1x32x2048xf32, #tpu.memory_space<vmem>> -> memref<32x2048xf32, #tpu.memory_space<vmem>>
    %dma_wait3A_775 = arith.constant 0 : i32
    %dma_wait3A_776 = tpu.memref_slice %arg3[%add3A_768, %dma_wait3A_775] : memref<16384x2048xf32, #tpu.memory_space<hbm>> -> memref<32x2048xf32, #tpu.memory_space<hbm>>
    %dma_wait3A_777 = tpu.memref_slice %arg6[%dma_wait3A_770] : memref<2x!tpu.dma_semaphore, #tpu.memory_space<semaphore_mem>> -> memref<1x!tpu.dma_semaphore, #tpu.memory_space<semaphore_mem>>
    %dma_wait3A_778 = tpu.memref_squeeze %dma_wait3A_777 : memref<1x!tpu.dma_semaphore, #tpu.memory_space<semaphore_mem>> -> memref<!tpu.dma_semaphore, #tpu.memory_space<semaphore_mem>>
    %dma_wait3A_779 = arith.constant 0 : i32
    %dma_wait3A_780 = tpu.memref_slice %arg3[%add3A_768, %dma_wait3A_779] : memref<16384x2048xf32, #tpu.memory_space<hbm>> -> memref<32x2048xf32, #tpu.memory_space<hbm>>
    %dma_wait3A_781 = arith.constant 0 : i32
    %dma_wait3A_782 = arith.constant 0 : i32
    %dma_wait3A_783 = tpu.memref_slice %arg4[%dma_wait3A_769, %dma_wait3A_781, %dma_wait3A_782] : memref<2x32x2048xf32, #tpu.memory_space<vmem>> -> memref<1x32x2048xf32, #tpu.memory_space<vmem>>
    %dma_wait3A_784 = tpu.memref_squeeze %dma_wait3A_783 : memref<1x32x2048xf32, #tpu.memory_space<vmem>> -> memref<32x2048xf32, #tpu.memory_space<vmem>>
    tpu.wait_dma2 semaphore(%dma_wait3A_778 : memref<!tpu.dma_semaphore, #tpu.memory_space<semaphore_mem>>) src(%dma_wait3A_784 : memref<32x2048xf32, #tpu.memory_space<vmem>>) dst(%dma_wait3A_780 : memref<32x2048xf32, #tpu.memory_space<hbm>>)
    return
  }
}

</mosaic_0001>

<sc_bundles>
// kernel: kernel.3.cloned.1.call-start
scs
__scs_entry_jumppad:
0x0: {  	(pc) =	sbr.rel $0x88, $3  }
0x1: {  	(tag) =	ssettag $0x0;
	lr =	simm.s32 $0x1  }
0x2: {  	[smem:$0x3FA0] =	sst lr;
	_ =	strace $0xD0000000  }
0x3: {  	_ = 	snop  }
0x4: {  	_ = 	snop  }
0x5: {  	_ = 	snop  }
0x6: {  	_ = 	snop  }
0x7: {  	_ = 	snop  }
__scs_overlays_trampoline_lowered:
0x8: {  	[smem:$0x3FAF] =	sst s0  }
0x9: {  	[smem:$0x3FB0] =	sst s1  }
0xa: {  	[smem:$0x3FB1] =	sst s2  }
0xb: {  	[smem:$0x3FB2] =	sst s3  }
0xc: {  	[smem:$0x3FB3] =	sst s4  }
0xd: {  	[smem:$0x3FB4] =	sst s5  }
0xe: {  	[smem:$0x3FB5] =	sst s6  }
0xf: {  	[smem:$0x3FB6] =	sst s7  }
0x10: {  	[smem:$0x3FB7] =	sst s8  }
0x11: {  	[smem:$0x3FB8] =	sst s9;
	s0 =	simm.s32 @!p0 $0x0  }
0x12: {  	s1 =	sld [smem:$0x3F9E];
	s0 =	simm.s32 @p0 $0x1  }
0x13: {  	[smem:$0x3FB9] =	sst s0;
	s0 =	simm.s32 @!p1 $0x0  }
0x14: {  	s2 =	sld [smem:$0x3F9D];
	s0 =	simm.s32 @p1 $0x1  }
0x15: {  	[smem:$0x3FBA] =	sst s0;
	s0 =	simm.s32 @!p2 $0x0  }
0x16: {  	s3 =	sld [smem:$0x3FDB];
	s0 =	simm.s32 @p2 $0x1  }
0x17: {  	s4 =	simm.s32 $0x1BF5;
	[smem:$0x3FBC] =	sst s0  }
0x18: {  	s0 =	sld [smem:$0x3F9F];
	_ =	swait.ge [sflag:s4], $0x0  }
0x19: {  	s7 =	sld [smem:$0x3FA0]  }
0x1a: {  	s8 =	sadd.s32 $0xFFFFE003, lr  }
0x1b: {  	s9 =	sadd.s32 $0xFFFFFEF7, lr;
	s5 =	simm.s32 $0xFFFFFFFF;
	p2 =	slt.u32 s8, $0xFFFFF086  }
0x1c: {  	p1 =	slt.u32 s9, $0xF7A;
	s5 =	simm.s32 @!p2 $0x0  }
0x1d: {  	s5 =	simm.s32 @p1 $0x1;
	p0 =	seq.s32 s7, s2  }
0x1e: {  	s7 =	smul.u32 @!p0 $0xF7A, s2;
	p2 =	seq.s32 @!p0 s5, $0x0  }
0x1f: {  	s9 =	smul.u32 $0xF7A, s1;
	s8 =	simm.s32 @!p0 $0x1BF5;
	p2 =	por !p2, p0  }
0x20: {  	[sflag:s8] =	ssyncset.s32 @!p0 $0xFFFFF086;
	s6 =	sadd.s32 @!p0 s3, s7;
	s7 =	simm.s32 @!p0 $0x108  }
0x21: {  	s3 =	sadd.s32 s3, s9;
	s6 =	sadd.s32 @!p0 $0x88, s6;
	s7 =	simm.s32 @p2 $0x1082  }
0x22: {  	[simem:s7], [sflag:s8] =	dma.local @!p0 [hbm:s6], $0xF7A  }
0x23: {  	s9 =	sor.u32 $0xD0000000, s2;
	s6 =	simm.s32 $0x108;
	_ =	swait.ge @!p0 [sflag:s8], $0x0  }
0x24: {  	s3 =	sadd.s32 $0x88, s3;
	s6 =	simm.s32 @!p1 $0x1082;
	[sflag:s4] =	ssyncset.s32 $0xFFFFF086  }
0x25: {  	[simem:s6], [sflag:s4] =	dma.local [hbm:s3], $0xF7A  }
0x26: {  	[smem:$0x3FA0] =	sst s1;
	(tag) =	ssettag s2;
	_ =	strace s9  }
0x27: {  	s1 =	sld [smem:$0x3FB0]  }
0x28: {  	s2 =	sld [smem:$0x3FB1]  }
0x29: {  	s4 =	sld [smem:$0x3FB3]  }
0x2a: {  	p0 =	seq.s32 s5, $0x0;
	s5 =	sld [smem:$0x3FB4]  }
0x2b: {  	s6 =	sld [smem:$0x3FB5]  }
0x2c: {  	s7 =	sld [smem:$0x3FB6]  }
0x2d: {  	s3 =	simm.s32 $0x108;
	s8 =	sld [smem:$0x3FB7]  }
0x2e: {  	s3 =	simm.s32 @!p0 $0x1082;
	s9 =	sld [smem:$0x3FB8]  }
0x2f: {  	lr =	sadd.s32 s0, s3;
	s0 =	sld [smem:$0x3FAF]  }
0x30: {  	s3 =	sld [smem:$0x3FB2]  }
0x31: {  	[smem:$0x3FBB] =	sst s10  }
0x32: {  	s10 =	sld [smem:$0x3FB9];
	_ =	sdelay $0x3  }
0x33: {  	p0 =	seq.s32 s10, $0x1;
	s10 =	sld [smem:$0x3FBB];
	_ =	sdelay $0x3  }
0x34: {  	[smem:$0x3FBB] =	sst s10  }
0x35: {  	s10 =	sld [smem:$0x3FBA];
	_ =	sdelay $0x3  }
0x36: {  	p1 =	seq.s32 s10, $0x1;
	s10 =	sld [smem:$0x3FBB];
	_ =	sdelay $0x3  }
0x37: {  	[smem:$0x3FBB] =	sst s10  }
0x38: {  	s10 =	sld [smem:$0x3FBC]  }
0x39: {  	_ = 	snop;
	(pc) =	sbr.ind lr, $3  }
0x3a: {  	_ = 	snop  }
0x3b: {  	_ = 	snop  }
0x3c: {  	p2 =	seq.s32 s10, $0x1;
	s10 =	sld [smem:$0x3FBB]  }
0x3d: {  	_ =	shalt  }
0x3e: {  	_ =	shalt  }
0x3f: {  	_ =	shalt  }
0x40: {  	_ =	shalt  }
0x41: {  	_ =	shalt  }
0x42: {  	_ =	shalt  }
0x43: {  	_ =	shalt  }
0x44: {  	_ =	shalt  }
0x45: {  	_ =	shalt  }
0x46: {  	_ =	shalt  }
0x47: {  	_ =	shalt  }
0x48: {  	_ =	shalt  }
0x49: {  	_ =	shalt  }
0x4a: {  	_ =	shalt  }
0x4b: {  	_ =	shalt  }
0x4c: {  	_ =	shalt  }
0x4d: {  	_ =	shalt  }
0x4e: {  	_ =	shalt  }
0x4f: {  	_ =	shalt  }
0x50: {  	_ =	shalt  }
0x51: {  	_ =	shalt  }
0x52: {  	_ =	shalt  }
0x53: {  	_ =	shalt  }
0x54: {  	_ =	shalt  }
0x55: {  	_ =	shalt  }
0x56: {  	_ =	shalt  }
0x57: {  	_ =	shalt  }
0x58: {  	_ =	shalt  }
0x59: {  	_ =	shalt  }
0x5a: {  	_ =	shalt  }
0x5b: {  	_ =	shalt  }
0x5c: {  	_ =	shalt  }
0x5d: {  	_ =	shalt  }
0x5e: {  	_ =	shalt  }
0x5f: {  	_ =	shalt  }
0x60: {  	_ =	shalt  }
0x61: {  	_ =	shalt  }
0x62: {  	_ =	shalt  }
0x63: {  	_ =	shalt  }
0x64: {  	_ =	shalt  }
0x65: {  	_ =	shalt  }
0x66: {  	_ =	shalt  }
0x67: {  	_ =	shalt  }
0x68: {  	_ =	shalt  }
0x69: {  	_ =	shalt  }
0x6a: {  	_ =	shalt  }
0x6b: {  	_ =	shalt  }
0x6c: {  	_ =	shalt  }
0x6d: {  	_ =	shalt  }
0x6e: {  	_ =	shalt  }
0x6f: {  	_ =	shalt  }
0x70: {  	_ =	shalt  }
0x71: {  	_ =	shalt  }
0x72: {  	_ =	shalt  }
0x73: {  	_ =	shalt  }
0x74: {  	_ =	shalt  }
0x75: {  	_ =	shalt  }
0x76: {  	_ =	shalt  }
0x77: {  	_ =	shalt  }
0x78: {  	_ =	shalt  }
0x79: {  	_ =	shalt  }
0x7a: {  	_ =	shalt  }
0x7b: {  	_ =	shalt  }
0x7c: {  	_ =	shalt  }
0x7d: {  	_ =	shalt  }
0x7e: {  	_ =	shalt  }
0x7f: {  	_ =	shalt  }
0x80: {  	_ =	shalt  }
0x81: {  	_ =	shalt  }
0x82: {  	_ =	shalt  }
0x83: {  	_ =	shalt  }
0x84: {  	_ =	shalt  }
0x85: {  	_ =	shalt  }
0x86: {  	_ =	shalt  }
0x87: {  	_ =	shalt  }
.Lfunc_end0:
.L_simem_size_0:
called_computation_lowered:
.L_overlay_start_0:
0x88: {  	s2 =	sld [smem:$0x3FD9]  }
0x89: {  	s3 =	sld [smem:$0x3FFE];
	_ =	sdelay $0x1  }
0x8a: {  	s1 =	srdreg.scid  }
0x8b: {  	s0 =	sand.u32 $0x1, s1  }
0x8c: {  	s18 =	sshll.u32 s0, $0xA;
	s2 =	sadd.s32 s3, s2  }
0x8d: {  	s2 =	sadd.s32 s2, s18  }
0x8e: {  	[smem:$0x3FC7] =	sst s2  }
0x8f: {  	_ = 	snop  }
0x90: {  	s2 =	sld [smem:$0x3FC9]  }
0x91: {  	s19 =	sld [smem:$0x3FD0];
	(tm) =	ssettm $0x1  }
0x92: {  	s4 =	sld [smem:$0x3FFB];
	_ =	sdelay $0x3  }
0x93: {  	_ =	strace s4  }
0x94: {  	s4 =	sld [smem:$0x3FFC];
	_ =	sdelay $0x3  }
0x95: {  	_ =	strace s4  }
0x96: {  	s4 =	sld [smem:$0x3FFD];
	_ =	sdelay $0x3  }
0x97: {  	_ =	strace s4  }
0x98: {  	_ =	strace $0x8FFFFFFF  }
0x99: {  	s20 =	sld [smem:$0x3FDB];
	_ =	sdelay $0x1  }
0x9a: {  	s5 =	simm.s32 $_scs_section_size  }
0x9b: {  	s6 =	simm.s32 $_size__tile_overlayer_lowered;
	s7 =	simm.s32 $_tile_overlayer_lowered  }
0x9c: {  	s23 =	simm.s32 $0x1BFF;
	s22 =	sshll.u32 s7, $0x1;
	s4 =	sadd.s32 s5, s20  }
0x9d: {  	s8 =	simm.s32 $0x0;
	s21 =	sshll.u32 s6, $0x1;
	s6 =	sadd.s32 s22, s4  }
0x9e: {  	[timem:s8], [sflag:s23] =	dma.local [hbm:s6], s21  }
0x9f: {  	_ =	swait.ge [sflag:s23], s21  }
0xa0: {  	s5 =	ssub.s32 $0x0, s21;
	[sflag:s23] =	ssyncset.done $0x0  }
0xa1: {  	[sflag:s23] =	ssyncadd.s32 s5;
	_ =	sdelay $0x1  }
0xa2: {  	s24 =	simm.s32 $0x1B8B  }
0xa3: {  	_ =	swait.ge [sflag:s24], $0x1  }
0xa4: {  	[sflag:s24] =	ssyncset.done $0x0  }
0xa5: {  	s25 =	simm.s32 $0x1B8E;
	[sflag:s24] =	ssyncadd.s32 $0xFFFFFFFF  }
0xa6: {  	s26 =	simm.s32 $execute0_lowered;
	[smem:$0x3FD2] =	sst s25  }
0xa7: {  	s5 =	sshll.u32 s26, $0x1;
	_ =	strace $0x80000046;
	[dreg:$0x1] =	wrdreg $0xFFFFFFFF  }
0xa8: {  	s28 =	simm.s32 $_size_execute0_lowered;
	s4 =	sadd.s32 s4, s5;
	[dreg:$0x0] =	wrdreg $0x0  }
0xa9: {  	s5 =	sshll.u32 s28, $0x1;
	[dreg:$0x2] =	wrdreg s4  }
0xaa: {  	[dreg:$0x3] =	wrdreg s5  }
0xab: {  	[dreg:$0x4] =	wrdreg $0xC0  }
0xac: {  	_ =	task [dreg:s8], $0x5FFFF  }
0xad: {  	[dreg:$0x1] =	wrdreg $0xFFFFFFFF  }
0xae: {  	[dreg:$0x0] =	wrdreg $0x60  }
0xaf: {  	[dreg:$0x2] =	wrdreg s2  }
0xb0: {  	[dreg:$0x3] =	wrdreg s19  }
0xb1: {  	[dreg:$0x4] =	wrdreg $0x9  }
0xb2: {  	_ =	task.clear_ibuf [dreg:s8], $0x5FFFF;
	_ =	strace $0x90000046  }
0xb3: {  	s29 =	simm.s32 $0x9;
	_ =	strace $0x80000048  }
0xb4: {  	_ =	swait.ge [sflag:s29], $0x1  }
0xb5: {  	[sflag:s29] =	ssyncadd.s32 $0xFFFFFFFF  }
0xb6: {  	_ =	strace $0x90000048  }
0xb7: {  	_ =	sfence  }
0xb8: {  	s30 =	sld [smem:$0x0];
	_ =	sdelay $0x2  }
0xb9: {  	s31 =	sshll.u32 s1, $0xD;
	s1 =	sshrl.u32 s1, $0x2  }
0xba: {  	s3 =	sand.u32 $0x4000, s31;
	s1 =	sadd.s32 s1, s30  }
0xbb: {  	s0 =	sor.u32 s3, s0;
	s1 =	sshll.u32 s1, $0x11  }
0xbc: {  	s0 =	sor.u32 s1, s0  }
0xbd: {  	s0 =	sadd.s32 $0x8F2B, s0  }
0xbe: {  	[sflag:s0] =	ssyncadd.remote.s32 $0x1  }
0xbf: {  	_ =	sfence.sel $0xFFFF  }
0xc0: {  	[dreg:$0x0] =	wrdreg $0xFFFFFFFF;
	(pc) =	sbr.abs _section_cstart, $3  }
0xc1: {  	[dreg:$0x1] =	wrdreg $0xFFFFFFFF  }
0xc2: {  	_ =	task.clear_ibuf [dreg:s8], $0x2FFFF;
	_ =	strace $0x9FFFFFFF  }
0xc3: {  	(tm) =	ssettm $0x7FFFFFFF  }
tec
execute0_lowered:
.L_overlay_start_1:
0x0: {  	(tag) =	ssettag $0x1  }
0x1: {  	s19 =	rddreg [dreg:$0x0]  }
0x2: {  	s24 =	rddreg [dreg:$0x1];
	s2 =	srdreg.scid  }
0x3: {  	s0 =	rddreg [dreg:$0x2];
	s1 =	stileid.u32;
	s29 =	sand.u32 $0x1, s2  }
0x4: {  	s2 =	simm.s32 $0x0;
	s3 =	sshll.u32 s1, $0x10;
	s4 =	sshll.u32 s29, $0xF  }
0x5: {  	[smem:$0x7FF] =	sst s2;
	s20 =	sor.u32 s4, s3  }
0x6: {  	_ =	strace $0x80000047;
	s3 =	sadd.s32 s19, s20;
	s14 =	sor.u32 $0x2000, s20  }
0x7: {  	[tilespmem:s2], [sflag:$0x1] =	stream.linear.gather [hbm4b:s3+s2], $0x10000, $0x38;
	v63 =	vld [tilespmem:$0x0]  }
0x8: {  	s5 =	simm.s32 $0x10000;
	s6 =	simm.s32 $0x1;
	s4 =	sadd.s32 s19, s14  }
0x9: {  	[tilespmem:s5], [sflag:$0x2] =	stream.linear.gather [hbm4b:s4+s2], $0x10000, $0x38;
	v63 =	vld [tilespmem:$0x0]  }
0xa: {  	_ =	swait.ge [sflag:s6], $0x10000  }
0xb: {  	[sflag:s6] =	ssyncset.done $0x0  }
0xc: {  	s7 =	sadd.s32 s24, s20;
	[sflag:s6] =	ssyncadd.s32 $0xFFFF0000  }
0xd: {  	[hbm4b:s7+s2] =	stream.linear.scatter [tilespmem:s2], [sflag:$0x3], $0x10000, $0x38;
	v63 =	vld [tilespmem:$0x0]  }
0xe: {  	s8 =	sadd.s32 $0x100000, s7  }
0xf: {  	[hbm4b:s8+s2] =	stream.linear.scatter [tilespmem:s2], [sflag:$0x3], $0x10000, $0x38;
	v63 =	vld [tilespmem:$0x0]  }
0x10: {  	s9 =	sadd.s32 $0x200000, s7  }
0x11: {  	[hbm4b:s9+s2] =	stream.linear.scatter [tilespmem:s2], [sflag:$0x3], $0x10000, $0x38;
	v63 =	vld [tilespmem:$0x0]  }
0x12: {  	s11 =	simm.s32 $0x3;
	s10 =	sadd.s32 $0x300000, s7  }
0x13: {  	[hbm4b:s10+s2] =	stream.linear.scatter [tilespmem:s2], [sflag:$0x3], $0x10000, $0x38;
	v63 =	vld [tilespmem:$0x0]  }
0x14: {  	_ =	swait.ge [sflag:s11], $0x10000  }
0x15: {  	[sflag:s11] =	ssyncset.done $0x0  }
0x16: {  	[sflag:s11] =	ssyncadd.s32 $0xFFFF0000  }
0x17: {  	_ =	swait.ge [sflag:s11], $0x10000  }
0x18: {  	[sflag:s11] =	ssyncset.done $0x0  }
0x19: {  	[sflag:s11] =	ssyncadd.s32 $0xFFFF0000  }
0x1a: {  	_ =	swait.ge [sflag:s11], $0x10000  }
0x1b: {  	[sflag:s11] =	ssyncset.done $0x0  }
0x1c: {  	[sflag:s11] =	ssyncadd.s32 $0xFFFF0000  }
0x1d: {  	_ =	swait.ge [sflag:s11], $0x10000  }
0x1e: {  	s21 =	sor.u32 $0x4000, s20;
	[sflag:s11] =	ssyncset.done $0x0  }
0x1f: {  	s13 =	simm.s32 $0x2;
	s12 =	sadd.s32 s19, s21;
	[sflag:s11] =	ssyncadd.s32 $0xFFFF0000  }
0x20: {  	[tilespmem:s2], [sflag:$0x1] =	stream.linear.gather [hbm4b:s12+s2], $0x10000, $0x38;
	v63 =	vld [tilespmem:$0x0]  }
0x21: {  	_ =	swait.ge [sflag:s13], $0x10000  }
0x22: {  	[sflag:s13] =	ssyncset.done $0x0  }
0x23: {  	s14 =	sadd.s32 s24, s14;
	[sflag:s13] =	ssyncadd.s32 $0xFFFF0000  }
0x24: {  	[hbm4b:s14+s2] =	stream.linear.scatter [tilespmem:s5], [sflag:$0x4], $0x10000, $0x38;
	v63 =	vld [tilespmem:$0x0]  }
0x25: {  	s15 =	sadd.s32 $0x102000, s7  }
0x26: {  	[hbm4b:s15+s2] =	stream.linear.scatter [tilespmem:s5], [sflag:$0x4], $0x10000, $0x38;
	v63 =	vld [tilespmem:$0x0]  }
0x27: {  	s16 =	sadd.s32 $0x202000, s7  }
0x28: {  	[hbm4b:s16+s2] =	stream.linear.scatter [tilespmem:s5], [sflag:$0x4], $0x10000, $0x38;
	v63 =	vld [tilespmem:$0x0]  }
0x29: {  	s17 =	simm.s32 $0x4;
	s18 =	sadd.s32 $0x302000, s7  }
0x2a: {  	[hbm4b:s18+s2] =	stream.linear.scatter [tilespmem:s5], [sflag:$0x4], $0x10000, $0x38;
	v63 =	vld [tilespmem:$0x0]  }
0x2b: {  	_ =	swait.ge [sflag:s17], $0x10000  }
0x2c: {  	[sflag:s17] =	ssyncset.done $0x0  }
0x2d: {  	[sflag:s17] =	ssyncadd.s32 $0xFFFF0000  }
0x2e: {  	_ =	swait.ge [sflag:s17], $0x10000  }
0x2f: {  	[sflag:s17] =	ssyncset.done $0x0  }
0x30: {  	[sflag:s17] =	ssyncadd.s32 $0xFFFF0000  }
0x31: {  	_ =	swait.ge [sflag:s17], $0x10000  }
0x32: {  	[sflag:s17] =	ssyncset.done $0x0  }
0x33: {  	[sflag:s17] =	ssyncadd.s32 $0xFFFF0000  }
0x34: {  	_ =	swait.ge [sflag:s17], $0x10000  }
0x35: {  	s25 =	sor.u32 $0x6000, s20;
	[sflag:s17] =	ssyncset.done $0x0  }
0x36: {  	s19 =	sadd.s32 s19, s25;
	[sflag:s17] =	ssyncadd.s32 $0xFFFF0000  }
0x37: {  	[tilespmem:s5], [sflag:$0x2] =	stream.linear.gather [hbm4b:s19+s2], $0x10000, $0x38;
	v63 =	vld [tilespmem:$0x0]  }
0x38: {  	_ =	swait.ge [sflag:s6], $0x10000  }
0x39: {  	[sflag:s6] =	ssyncset.done $0x0  }
0x3a: {  	s20 =	sadd.s32 s24, s21;
	[sflag:s6] =	ssyncadd.s32 $0xFFFF0000  }
0x3b: {  	[hbm4b:s20+s2] =	stream.linear.scatter [tilespmem:s2], [sflag:$0x3], $0x10000, $0x38;
	v63 =	vld [tilespmem:$0x0]  }
0x3c: {  	s21 =	sadd.s32 $0x104000, s7  }
0x3d: {  	[hbm4b:s21+s2] =	stream.linear.scatter [tilespmem:s2], [sflag:$0x3], $0x10000, $0x38;
	v63 =	vld [tilespmem:$0x0]  }
0x3e: {  	s22 =	sadd.s32 $0x204000, s7  }
0x3f: {  	[hbm4b:s22+s2] =	stream.linear.scatter [tilespmem:s2], [sflag:$0x3], $0x10000, $0x38;
	v63 =	vld [tilespmem:$0x0]  }
0x40: {  	s23 =	sadd.s32 $0x304000, s7  }
0x41: {  	[hbm4b:s23+s2] =	stream.linear.scatter [tilespmem:s2], [sflag:$0x3], $0x10000, $0x38;
	v63 =	vld [tilespmem:$0x0]  }
0x42: {  	_ =	swait.ge [sflag:s13], $0x10000  }
0x43: {  	[sflag:s13] =	ssyncset.done $0x0  }
0x44: {  	s24 =	sadd.s32 s24, s25;
	[sflag:s13] =	ssyncadd.s32 $0xFFFF0000  }
0x45: {  	[hbm4b:s24+s2] =	stream.linear.scatter [tilespmem:s5], [sflag:$0x4], $0x10000, $0x38;
	v63 =	vld [tilespmem:$0x0]  }
0x46: {  	s25 =	sadd.s32 $0x106000, s7  }
0x47: {  	[hbm4b:s25+s2] =	stream.linear.scatter [tilespmem:s5], [sflag:$0x4], $0x10000, $0x38;
	v63 =	vld [tilespmem:$0x0]  }
0x48: {  	s26 =	sadd.s32 $0x206000, s7  }
0x49: {  	[hbm4b:s26+s2] =	stream.linear.scatter [tilespmem:s5], [sflag:$0x4], $0x10000, $0x38;
	v63 =	vld [tilespmem:$0x0]  }
0x4a: {  	s28 =	sadd.s32 $0x306000, s7  }
0x4b: {  	[hbm4b:s28+s2] =	stream.linear.scatter [tilespmem:s5], [sflag:$0x4], $0x10000, $0x38;
	v63 =	vld [tilespmem:$0x0]  }
0x4c: {  	_ =	swait.ge [sflag:s11], $0x10000  }
0x4d: {  	[sflag:s11] =	ssyncset.done $0x0  }
0x4e: {  	[sflag:s11] =	ssyncadd.s32 $0xFFFF0000  }
0x4f: {  	_ =	swait.ge [sflag:s11], $0x10000  }
0x50: {  	[sflag:s11] =	ssyncset.done $0x0  }
0x51: {  	[sflag:s11] =	ssyncadd.s32 $0xFFFF0000  }
0x52: {  	_ =	swait.ge [sflag:s11], $0x10000  }
0x53: {  	[sflag:s11] =	ssyncset.done $0x0  }
0x54: {  	[sflag:s11] =	ssyncadd.s32 $0xFFFF0000  }
0x55: {  	_ =	swait.ge [sflag:s11], $0x10000  }
0x56: {  	[sflag:s11] =	ssyncset.done $0x0  }
0x57: {  	[sflag:s11] =	ssyncadd.s32 $0xFFFF0000  }
0x58: {  	_ =	swait.ge [sflag:s17], $0x10000  }
0x59: {  	s29 =	ssub.s32 $0x2, s29;
	[sflag:s17] =	ssyncset.done $0x0  }
0x5a: {  	s30 =	sshrl.u32 s29, $0x1;
	[sflag:s17] =	ssyncadd.s32 $0xFFFF0000  }
0x5b: {  	s29 =	ssub.s32 s29, s30;
	_ =	swait.ge [sflag:s17], $0x10000  }
0x5c: {  	s29 =	smax.u32 s29, $0x1;
	[sflag:s17] =	ssyncset.done $0x0  }
0x5d: {  	p0 =	sne.s32 s29, $0x1;
	[sflag:s17] =	ssyncadd.s32 $0xFFFF0000  }
.Ltmp0:
0x5e: {  	_ =	swait.ge [sflag:s17], $0x10000;
	(pc) =	sbr.rel @!p0 .LBB2_2-.Ltmp0, $4  }
0x5f: {  	[sflag:s17] =	ssyncset.done $0x0  }
0x60: {  	[sflag:s17] =	ssyncadd.s32 $0xFFFF0000  }
0x61: {  	_ =	swait.ge [sflag:s17], $0x10000  }
0x62: {  	s29 =	sadd.s32 $0xFFFFFFFF, s29;
	[sflag:s17] =	ssyncset.done $0x0  }
.LBB2_1:
0x63: {  	p0 =	sne.s32 s29, $0x1;
	s29 =	sadd.s32 $0xFFFFFFFF, s29;
	[sflag:s17] =	ssyncadd.s32 $0xFFFF0000  }
0x64: {  	[tilespmem:s2], [sflag:$0x1] =	stream.linear.gather [hbm4b:s3+s2], $0x10000, $0x38;
	v63 =	vld [tilespmem:$0x0]  }
0x65: {  	_ = 	snop  }
0x66: {  	[tilespmem:s5], [sflag:$0x2] =	stream.linear.gather [hbm4b:s4+s2], $0x10000, $0x38;
	v63 =	vld [tilespmem:$0x0]  }
0x67: {  	_ =	swait.ge [sflag:s6], $0x10000  }
0x68: {  	[sflag:s6] =	ssyncset.done $0x0  }
0x69: {  	[sflag:s6] =	ssyncadd.s32 $0xFFFF0000  }
0x6a: {  	[hbm4b:s7+s2] =	stream.linear.scatter [tilespmem:s2], [sflag:$0x3], $0x10000, $0x38;
	v63 =	vld [tilespmem:$0x0]  }
0x6b: {  	_ = 	snop  }
0x6c: {  	[hbm4b:s8+s2] =	stream.linear.scatter [tilespmem:s2], [sflag:$0x3], $0x10000, $0x38;
	v63 =	vld [tilespmem:$0x0]  }
0x6d: {  	_ = 	snop  }
0x6e: {  	[hbm4b:s9+s2] =	stream.linear.scatter [tilespmem:s2], [sflag:$0x3], $0x10000, $0x38;
	v63 =	vld [tilespmem:$0x0]  }
0x6f: {  	_ = 	snop  }
0x70: {  	[hbm4b:s10+s2] =	stream.linear.scatter [tilespmem:s2], [sflag:$0x3], $0x10000, $0x38;
	v63 =	vld [tilespmem:$0x0]  }
0x71: {  	_ =	swait.ge [sflag:s11], $0x10000  }
0x72: {  	[sflag:s11] =	ssyncset.done $0x0  }
0x73: {  	[sflag:s11] =	ssyncadd.s32 $0xFFFF0000  }
0x74: {  	_ =	swait.ge [sflag:s11], $0x10000  }
0x75: {  	[sflag:s11] =	ssyncset.done $0x0  }
0x76: {  	[sflag:s11] =	ssyncadd.s32 $0xFFFF0000  }
0x77: {  	_ =	swait.ge [sflag:s11], $0x10000  }
0x78: {  	[sflag:s11] =	ssyncset.done $0x0  }
0x79: {  	[sflag:s11] =	ssyncadd.s32 $0xFFFF0000  }
0x7a: {  	_ =	swait.ge [sflag:s11], $0x10000  }
0x7b: {  	[sflag:s11] =	ssyncset.done $0x0  }
0x7c: {  	[sflag:s11] =	ssyncadd.s32 $0xFFFF0000  }
0x7d: {  	[tilespmem:s2], [sflag:$0x1] =	stream.linear.gather [hbm4b:s12+s2], $0x10000, $0x38;
	v63 =	vld [tilespmem:$0x0]  }
0x7e: {  	_ =	swait.ge [sflag:s13], $0x10000  }
0x7f: {  	[sflag:s13] =	ssyncset.done $0x0  }
0x80: {  	[sflag:s13] =	ssyncadd.s32 $0xFFFF0000  }
0x81: {  	[hbm4b:s14+s2] =	stream.linear.scatter [tilespmem:s5], [sflag:$0x4], $0x10000, $0x38;
	v63 =	vld [tilespmem:$0x0]  }
0x82: {  	_ = 	snop  }
0x83: {  	[hbm4b:s15+s2] =	stream.linear.scatter [tilespmem:s5], [sflag:$0x4], $0x10000, $0x38;
	v63 =	vld [tilespmem:$0x0]  }
0x84: {  	_ = 	snop  }
0x85: {  	[hbm4b:s16+s2] =	stream.linear.scatter [tilespmem:s5], [sflag:$0x4], $0x10000, $0x38;
	v63 =	vld [tilespmem:$0x0]  }
0x86: {  	_ = 	snop  }
0x87: {  	[hbm4b:s18+s2] =	stream.linear.scatter [tilespmem:s5], [sflag:$0x4], $0x10000, $0x38;
	v63 =	vld [tilespmem:$0x0]  }
0x88: {  	_ =	swait.ge [sflag:s17], $0x10000  }
0x89: {  	[sflag:s17] =	ssyncset.done $0x0  }
0x8a: {  	[sflag:s17] =	ssyncadd.s32 $0xFFFF0000  }
0x8b: {  	_ =	swait.ge [sflag:s17], $0x10000  }
0x8c: {  	[sflag:s17] =	ssyncset.done $0x0  }
0x8d: {  	[sflag:s17] =	ssyncadd.s32 $0xFFFF0000  }
0x8e: {  	_ =	swait.ge [sflag:s17], $0x10000  }
0x8f: {  	[sflag:s17] =	ssyncset.done $0x0  }
0x90: {  	[sflag:s17] =	ssyncadd.s32 $0xFFFF0000  }
0x91: {  	_ =	swait.ge [sflag:s17], $0x10000  }
0x92: {  	[sflag:s17] =	ssyncset.done $0x0  }
0x93: {  	[sflag:s17] =	ssyncadd.s32 $0xFFFF0000  }
0x94: {  	[tilespmem:s5], [sflag:$0x2] =	stream.linear.gather [hbm4b:s19+s2], $0x10000, $0x38;
	v63 =	vld [tilespmem:$0x0]  }
0x95: {  	_ =	swait.ge [sflag:s6], $0x10000  }
0x96: {  	[sflag:s6] =	ssyncset.done $0x0  }
0x97: {  	[sflag:s6] =	ssyncadd.s32 $0xFFFF0000  }
0x98: {  	[hbm4b:s20+s2] =	stream.linear.scatter [tilespmem:s2], [sflag:$0x3], $0x10000, $0x38;
	v63 =	vld [tilespmem:$0x0]  }
0x99: {  	_ = 	snop  }
0x9a: {  	[hbm4b:s21+s2] =	stream.linear.scatter [tilespmem:s2], [sflag:$0x3], $0x10000, $0x38;
	v63 =	vld [tilespmem:$0x0]  }
0x9b: {  	_ = 	snop  }
0x9c: {  	[hbm4b:s22+s2] =	stream.linear.scatter [tilespmem:s2], [sflag:$0x3], $0x10000, $0x38;
	v63 =	vld [tilespmem:$0x0]  }
0x9d: {  	_ = 	snop  }
0x9e: {  	[hbm4b:s23+s2] =	stream.linear.scatter [tilespmem:s2], [sflag:$0x3], $0x10000, $0x38;
	v63 =	vld [tilespmem:$0x0]  }
0x9f: {  	_ =	swait.ge [sflag:s13], $0x10000  }
0xa0: {  	[sflag:s13] =	ssyncset.done $0x0  }
0xa1: {  	[sflag:s13] =	ssyncadd.s32 $0xFFFF0000  }
0xa2: {  	[hbm4b:s24+s2] =	stream.linear.scatter [tilespmem:s5], [sflag:$0x4], $0x10000, $0x38;
	v63 =	vld [tilespmem:$0x0]  }
0xa3: {  	_ = 	snop  }
0xa4: {  	[hbm4b:s25+s2] =	stream.linear.scatter [tilespmem:s5], [sflag:$0x4], $0x10000, $0x38;
	v63 =	vld [tilespmem:$0x0]  }
0xa5: {  	_ = 	snop  }
0xa6: {  	[hbm4b:s26+s2] =	stream.linear.scatter [tilespmem:s5], [sflag:$0x4], $0x10000, $0x38;
	v63 =	vld [tilespmem:$0x0]  }
0xa7: {  	_ = 	snop  }
0xa8: {  	[hbm4b:s28+s2] =	stream.linear.scatter [tilespmem:s5], [sflag:$0x4], $0x10000, $0x38;
	v63 =	vld [tilespmem:$0x0]  }
0xa9: {  	_ =	swait.ge [sflag:s11], $0x10000  }
0xaa: {  	[sflag:s11] =	ssyncset.done $0x0  }
0xab: {  	[sflag:s11] =	ssyncadd.s32 $0xFFFF0000  }
0xac: {  	_ =	swait.ge [sflag:s11], $0x10000  }
0xad: {  	[sflag:s11] =	ssyncset.done $0x0  }
0xae: {  	[sflag:s11] =	ssyncadd.s32 $0xFFFF0000  }
0xaf: {  	_ =	swait.ge [sflag:s11], $0x10000  }
0xb0: {  	[sflag:s11] =	ssyncset.done $0x0  }
0xb1: {  	[sflag:s11] =	ssyncadd.s32 $0xFFFF0000  }
0xb2: {  	_ =	swait.ge [sflag:s11], $0x10000  }
0xb3: {  	[sflag:s11] =	ssyncset.done $0x0  }
0xb4: {  	[sflag:s11] =	ssyncadd.s32 $0xFFFF0000  }
0xb5: {  	_ =	swait.ge [sflag:s17], $0x10000  }
0xb6: {  	[sflag:s17] =	ssyncset.done $0x0  }
0xb7: {  	[sflag:s17] =	ssyncadd.s32 $0xFFFF0000  }
0xb8: {  	_ =	swait.ge [sflag:s17], $0x10000  }
0xb9: {  	[sflag:s17] =	ssyncset.done $0x0  }
0xba: {  	[sflag:s17] =	ssyncadd.s32 $0xFFFF0000  }
.Ltmp1:
0xbb: {  	_ =	swait.ge [sflag:s17], $0x10000;
	(pc) =	sbr.rel @p0 .LBB2_1-.Ltmp1, $4  }
0xbc: {  	[sflag:s17] =	ssyncset.done $0x0  }
0xbd: {  	[sflag:s17] =	ssyncadd.s32 $0xFFFF0000  }
0xbe: {  	_ =	swait.ge [sflag:s17], $0x10000  }
0xbf: {  	[sflag:s17] =	ssyncset.done $0x0  }
.LBB2_2:
0xc0: {  	[sflag:s17] =	ssyncadd.s32 $0xFFFF0000  }
0xc1: {  	_ =	sfence.sel $0x180000  }
0xc2: {  	[bflag:$0x0] =	sbarrier.arrive $0xFFFF  }
0xc3: {  	p0 =	sne.s32 s1, $0x0;
	_ =	strace $0x90000047  }
0xc4: {  	s0 =	sadd.s32 @!p0 $0x100000, s0;
	[bflag:$0x2] =	sbarrier.arrive $0xFFFF  }
0xc5: {  	[sflag:s0] =	ssyncadd.tile.s32 @!p0 $0x1;
	_ =	shalt  }
.Lfunc_end2:
_tile_overlayer_lowered:
.L_overlay_start_2:
0xc6: {  	(tag) =	ssettag $0x2  }
0xc7: {  	s0 =	rddreg [dreg:$0x0];
	s2 =	stileid.u32  }
0xc8: {  	s1 =	rddreg [dreg:$0x1];
	p0 =	sne.s32 s2, $0x0  }
0xc9: {  	s3 =	rddreg [dreg:$0x2];
	[bflag:$0x3] =	sbarrier.arrive $0xFFFF;
	s2 =	simm.s32 @!p0 $0x1C05  }
0xca: {  	[timem:s3], [sflag:s2] =	dma.local @!p0 [hbm:s0], s1  }
0xcb: {  	s0 =	simm.s32 @!p0 $0x5  }
0xcc: {  	_ =	swait.ge @!p0 [sflag:s0], s1  }
0xcd: {  	s1 =	ssub.s32 @!p0 $0x0, s1;
	[sflag:s0] =	ssyncset.done @!p0 $0x0  }
0xce: {  	[sflag:s0] =	ssyncadd.s32 @!p0 s1  }
0xcf: {  	[bflag:$0x3] =	sbarrier.arrive $0xFFFF  }
0xd0: {  	_ =	shalt  }

</sc_bundles>
